<compile_context>
chip_gen: v7x
topology: tpu7x:2x2x1
jax: 0.10.2.dev20260603
libtpu: 0.0.44.dev20260713+nightly
codegen_flags: <defaults>
</compile_context>

<pallas_src>
import functools

import jax
import jax.numpy as jnp
from jax import lax
from jax.experimental import pallas as pl
from jax.experimental.pallas import tpu as pltpu
from jax.experimental.pallas import tpu_sc as plsc

SCORE_THRESH = 0.1
IOU_THRESH = 0.5
PRE_MAX = 1024
POST_MAX = 256
ROW_CHUNK = 128


def _score_body(cls_ref, masked_ref, labels_ref):
    c = cls_ref[0]
    c0, c1, c2 = c[0:1], c[1:2], c[2:3]
    s = jnp.maximum(jnp.maximum(c0, c1), c2)
    lab = jnp.where(
        c0 >= c1,
        jnp.where(c0 >= c2, 1.0, 3.0),
        jnp.where(c1 >= c2, 2.0, 3.0),
    )
    masked_ref[0] = jnp.where(s > SCORE_THRESH, s, -1.0)
    labels_ref[0] = lab


def _col_to_row(v_col, n=PRE_MAX, chunk=ROW_CHUNK):
    lane = lax.broadcasted_iota(jnp.int32, (chunk, n), 1)
    out = jnp.zeros((1, n), jnp.float32)
    for c in range(n // chunk):
        rid = lax.broadcasted_iota(jnp.int32, (chunk, n), 0) + c * chunk
        out = out + jnp.sum(
            jnp.where(rid == lane, v_col[c * chunk:(c + 1) * chunk], 0.0),
            axis=0, keepdims=True)
    return out


def _sc_gather(table, gidx, n_rows, n_cols):
    info = plsc.get_sparse_core_info()
    nw = info.num_cores * info.num_subcores
    bpw = n_rows // nw
    mesh = plsc.VectorSubcoreMesh(core_axis_name="c", subcore_axis_name="s")

    @functools.partial(
        pl.kernel, mesh=mesh,
        out_type=jax.ShapeDtypeStruct((n_rows, n_cols), jnp.float32),
        scratch_types=[
            pltpu.VMEM((bpw,), jnp.int32),
            pltpu.VMEM((bpw, n_cols), jnp.float32),
            pltpu.SemaphoreType.DMA,
        ],
    )
    def gather_k(table_hbm, idx_hbm, out_hbm, idx_v, rows_v, sem):
        wid = lax.axis_index("s") * info.num_cores + lax.axis_index("c")
        base = wid * bpw
        pltpu.sync_copy(idx_hbm.at[pl.ds(base, bpw)], idx_v)
        pltpu.async_copy(table_hbm.at[idx_v], rows_v, sem).wait()
        pltpu.sync_copy(rows_v, out_hbm.at[pl.ds(base, bpw)])

    return gather_k(table, gidx)


def _nms_body(rows_in_ref, ts_ref, boxes_ref, fs_ref, fl_ref, s_ref):
    x = rows_in_ref[0, :, 0:1]
    y = rows_in_ref[0, :, 1:2]
    dx = rows_in_ref[0, :, 3:4]
    dy = rows_in_ref[0, :, 4:5]
    x1c, x2c = x - dx * 0.5, x + dx * 0.5
    y1c, y2c = y - dy * 0.5, y + dy * 0.5
    areac = dx * dy
    x1r = _col_to_row(x1c)
    x2r = _col_to_row(x2c)
    y1r = _col_to_row(y1c)
    y2r = _col_to_row(y2c)
    arear = _col_to_row(areac)

    lane = lax.broadcasted_iota(jnp.int32, (ROW_CHUNK, PRE_MAX), 1)
    for c in range(PRE_MAX // ROW_CHUNK):
        sl = slice(c * ROW_CHUNK, (c + 1) * ROW_CHUNK)
        rid = lax.broadcasted_iota(jnp.int32, (ROW_CHUNK, PRE_MAX), 0) + c * ROW_CHUNK
        ix1 = jnp.maximum(x1c[sl], x1r)
        ix2 = jnp.minimum(x2c[sl], x2r)
        iy1 = jnp.maximum(y1c[sl], y1r)
        iy2 = jnp.minimum(y2c[sl], y2r)
        inter = jnp.maximum(ix2 - ix1, 0.0) * jnp.maximum(iy2 - iy1, 0.0)
        union = areac[sl] + arear - inter
        iou = inter / jnp.maximum(union, 1e-6)
        s_ref[sl, :] = jnp.where((iou > IOU_THRESH) & (lane > rid), 1.0, 0.0)

    lane1 = lax.broadcasted_iota(jnp.int32, (1, PRE_MAX), 1)

    def body(i, keepf):
        row = s_ref[pl.ds(i, 1), :]
        curf = jnp.max(jnp.where(lane1 == i, keepf, 0.0))
        return keepf * (1.0 - row * curf)

    keepf = lax.fori_loop(0, PRE_MAX, body, jnp.ones((1, PRE_MAX), jnp.float32))

    ts = ts_ref[0]
    sel = jnp.where((keepf > 0.5) & (ts > 0.0), ts, -1.0)
    sel_col = jnp.zeros((PRE_MAX, 1), jnp.float32)
    lane_c = lane
    rank = jnp.zeros((1, PRE_MAX), jnp.float32)
    for c in range(PRE_MAX // ROW_CHUNK):
        rid = lax.broadcasted_iota(jnp.int32, (ROW_CHUNK, PRE_MAX), 0) + c * ROW_CHUNK
        ident = rid == lane_c
        part = jnp.sum(jnp.where(ident, sel, 0.0), axis=1, keepdims=True)
        g = (part > sel) | ((part == sel) & (rid < lane_c))
        rank = rank + jnp.sum(g.astype(jnp.float32), axis=0, keepdims=True)

    rows_all = rows_in_ref[0, :, 0:16]
    for c in range(POST_MAX // ROW_CHUNK):
        sl = slice(c * ROW_CHUNK, (c + 1) * ROW_CHUNK)
        kio = (lax.broadcasted_iota(jnp.int32, (ROW_CHUNK, PRE_MAX), 0)
               + c * ROW_CHUNK).astype(jnp.float32)
        m = rank == kio
        mf = m.astype(jnp.float32)
        fr = lax.dot_general(mf, rows_all, (((1,), (0,)), ((), ())),
                             preferred_element_type=jnp.float32,
                             precision=lax.Precision.HIGHEST)
        fsc = jnp.sum(jnp.where(m, sel, 0.0), axis=1, keepdims=True)
        boxes_ref[0, sl, :] = fr[:, 0:7]
        fs_ref[0, sl, :] = jnp.where(fsc > 0.0, fsc, 0.0)
        fl_ref[0, sl, :] = jnp.where(fsc > 0.0, fr[:, 7:8], 0.0).astype(jnp.int32)


@jax.jit
def kernel(batch_cls_preds, batch_box_preds):
    B, N, C = batch_cls_preds.shape
    cls_t = jnp.transpose(batch_cls_preds, (0, 2, 1))

    masked, labels_f = pl.pallas_call(
        _score_body,
        grid=(B,),
        in_specs=[pl.BlockSpec((1, C, N), lambda b: (b, 0, 0))],
        out_specs=[pl.BlockSpec((1, 1, N), lambda b: (b, 0, 0)),
                   pl.BlockSpec((1, 1, N), lambda b: (b, 0, 0))],
        out_shape=[jax.ShapeDtypeStruct((B, 1, N), jnp.float32),
                   jax.ShapeDtypeStruct((B, 1, N), jnp.float32)],
        compiler_params=pltpu.CompilerParams(
            dimension_semantics=("parallel",)),
    )(cls_t)
    masked = masked.reshape(B, N)
    labels_f = labels_f.reshape(B, N)

    top_scores, top_idx = lax.top_k(masked, PRE_MAX)

    table = jnp.concatenate(
        [batch_box_preds, labels_f[..., None],
         jnp.zeros((B, N, 120), jnp.float32)], axis=-1).reshape(B * N, 128)
    gidx = (top_idx + (jnp.arange(B, dtype=jnp.int32) * N)[:, None]
            ).reshape(B * PRE_MAX)
    rows = _sc_gather(table, gidx, B * PRE_MAX, 128).reshape(B, PRE_MAX, 128)

    fb, fs, fl = pl.pallas_call(
        _nms_body,
        grid=(B,),
        in_specs=[
            pl.BlockSpec((1, PRE_MAX, 128), lambda b: (b, 0, 0)),
            pl.BlockSpec((1, 1, PRE_MAX), lambda b: (b, 0, 0)),
        ],
        out_specs=[
            pl.BlockSpec((1, POST_MAX, 7), lambda b: (b, 0, 0)),
            pl.BlockSpec((1, POST_MAX, 1), lambda b: (b, 0, 0)),
            pl.BlockSpec((1, POST_MAX, 1), lambda b: (b, 0, 0)),
        ],
        out_shape=[
            jax.ShapeDtypeStruct((B, POST_MAX, 7), jnp.float32),
            jax.ShapeDtypeStruct((B, POST_MAX, 1), jnp.float32),
            jax.ShapeDtypeStruct((B, POST_MAX, 1), jnp.int32),
        ],
        scratch_shapes=[
            pltpu.VMEM((PRE_MAX, PRE_MAX), jnp.float32),
        ],
        compiler_params=pltpu.CompilerParams(
            dimension_semantics=("parallel",)),
    )(rows, top_scores.reshape(B, 1, PRE_MAX))

    return fb, fs.reshape(B, POST_MAX), fl.reshape(B, POST_MAX)

# --- scband reference (transcript-rebuilt; emitter-appended) ---
"""Pipeline reference for scband-point-pillar-5961414607101 (READ-ONLY COPY).

The authoritative reference and input builder live on the scoring server;
editing this copy changes nothing except your own understanding.
"""

import jax, jax.numpy as jnp
import numpy as np

SCORE_THRESH = 0.1
IOU_THRESH = 0.5
PRE_MAX = 1024
POST_MAX = 256


def setup_inputs(seed: int = 0) -> dict:
    key = jax.random.key(seed)
    k1, k2, k3, k4 = jax.random.split(key, 4)
    B, N, C = 4, 20000, 3
    batch_cls_preds = jax.random.uniform(k1, (B, N, C), dtype=jnp.float32)
    centers = jax.random.uniform(k2, (B, N, 3), dtype=jnp.float32) * 100.0
    sizes = jax.random.uniform(k3, (B, N, 3), dtype=jnp.float32) * 4.0 + 1.0
    heading = jax.random.uniform(k4, (B, N, 1), dtype=jnp.float32) * 6.28 - 3.14
    batch_box_preds = jnp.concatenate([centers, sizes, heading], axis=-1)
    return {"batch_cls_preds": batch_cls_preds, "batch_box_preds": batch_box_preds}


def pairwise_iou_bev(boxes):
    # boxes: [K, 7] = (x, y, z, dx, dy, dz, heading); axis-aligned BEV IoU
    x, y, dx, dy = boxes[:, 0], boxes[:, 1], boxes[:, 3], boxes[:, 4]
    x1, x2 = x - dx / 2, x + dx / 2
    y1, y2 = y - dy / 2, y + dy / 2
    area = dx * dy
    ix1 = jnp.maximum(x1[:, None], x1[None, :])
    ix2 = jnp.minimum(x2[:, None], x2[None, :])
    iy1 = jnp.maximum(y1[:, None], y1[None, :])
    iy2 = jnp.minimum(y2[:, None], y2[None, :])
    inter = jnp.maximum(ix2 - ix1, 0.0) * jnp.maximum(iy2 - iy1, 0.0)
    union = area[:, None] + area[None, :] - inter
    return inter / jnp.maximum(union, 1e-6)


def _single(cls_preds, box_preds):
    # cls_preds: [N, C], box_preds: [N, 7]
    scores = jnp.max(cls_preds, axis=-1)
    labels = jnp.argmax(cls_preds, axis=-1) + 1
    valid = scores > SCORE_THRESH
    masked = jnp.where(valid, scores, -1.0)
    top_scores, top_idx = jax.lax.top_k(masked, PRE_MAX)
    top_boxes = box_preds[top_idx]
    top_labels = labels[top_idx]
    ious = pairwise_iou_bev(jax.lax.stop_gradient(top_boxes))
    idxs = jnp.arange(PRE_MAX)

    def body(i, keep):
        cur = keep[i]
        sup = (ious[i] > IOU_THRESH) & (idxs > i) & cur
        return keep & (~sup)

    keep = jax.lax.fori_loop(0, PRE_MAX, body, jnp.ones(PRE_MAX, dtype=bool))
    keep = keep & (top_scores > 0)
    sel_scores = jnp.where(keep, top_scores, -1.0)
    final_scores, sel = jax.lax.top_k(sel_scores, POST_MAX)
    final_boxes = top_boxes[sel]
    final_labels = jnp.where(final_scores > 0, top_labels[sel], 0)
    final_scores = jnp.where(final_scores > 0, final_scores, 0.0)
    return final_boxes, final_scores, final_labels


def reference(batch_cls_preds, batch_box_preds):
    # class-agnostic NMS post-processing of PointPillar: per-image
    # max-over-class scoring, score threshold, greedy NMS, padded outputs
    final_boxes, final_scores, final_labels = jax.vmap(_single)(batch_cls_preds, batch_box_preds)
    return final_boxes, final_scores, final_labels

if __name__ == "__main__":
    import jax
    _d = setup_inputs()
    print(jax.jit(kernel)(*tuple(_d.values())))

</pallas_src>

<mosaic_0001>
#map = affine_map<(d0, d1) -> (0, 0)>
#map1 = affine_map<(d0, d1) -> (0)>
module attributes {stable_mosaic.version = 14 : i64} {
  func.func @gather_k(%arg0: i32, %arg1: i32, %arg2: memref<80000x128xf32, #tpu.memory_space<hbm>>, %arg3: memref<4096xi32, #tpu.memory_space<hbm>>, %arg4: memref<4096x128xf32, #tpu.memory_space<hbm>>, %arg5: memref<128xi32, #tpu.memory_space<vmem>>, %arg6: memref<128x128xf32, #tpu.memory_space<vmem>>, %arg7: memref<!tpu.dma_semaphore, #tpu.memory_space<semaphore_mem>>) attributes {dimension_semantics = [#tpu.dimension_semantics<core_parallel>, #tpu.dimension_semantics<subcore_parallel>], iteration_bounds = array<i64: 2, 16>, scalar_prefetch = 0 : i64, scratch_operands = 3 : i64, tpu.core_type = #tpu.core_type<sc_vector_subcore>, window_params = [{transform_indices = #map}, {transform_indices = #map1}, {transform_indices = #map}]} {
    %mul3A = arith.constant 2 : i32
    %mul3A_0 = arith.muli %arg1, %mul3A : i32
    %add3A = arith.addi %mul3A_0, %arg0 : i32
    %mul3A_1 = arith.constant 128 : i32
    %mul3A_2 = arith.muli %add3A, %mul3A_1 : i32
    "tpu.region"() ({
      %run_scoped3A = tpu.sem_alloc : memref<!tpu.dma_semaphore, #tpu.memory_space<semaphore_mem>>
      %dma_start3A_7 = tpu.memref_slice %arg3[%mul3A_2] : memref<4096xi32, #tpu.memory_space<hbm>> -> memref<128xi32, #tpu.memory_space<hbm>>
      %dma_start3A_8 = tpu.memref_slice %arg3[%mul3A_2] : memref<4096xi32, #tpu.memory_space<hbm>> -> memref<128xi32, #tpu.memory_space<hbm>>
      tpu.enqueue_dma source(%dma_start3A_8 : memref<128xi32, #tpu.memory_space<hbm>>) target(%arg5 : memref<128xi32, #tpu.memory_space<vmem>>) target_semaphore(%run_scoped3A : memref<!tpu.dma_semaphore, #tpu.memory_space<semaphore_mem>>)
      %dma_wait3A_9 = tpu.memref_slice %arg3[%mul3A_2] : memref<4096xi32, #tpu.memory_space<hbm>> -> memref<128xi32, #tpu.memory_space<hbm>>
      %dma_wait3A_10 = tpu.memref_slice %arg3[%mul3A_2] : memref<4096xi32, #tpu.memory_space<hbm>> -> memref<128xi32, #tpu.memory_space<hbm>>
      tpu.wait_dma2 semaphore(%run_scoped3A : memref<!tpu.dma_semaphore, #tpu.memory_space<semaphore_mem>>) src(%dma_wait3A_10 : memref<128xi32, #tpu.memory_space<hbm>>) dst(%arg5 : memref<128xi32, #tpu.memory_space<vmem>>)
      tpu.yield
    }) : () -> ()
    %dma_start3A = arith.constant 0 : i32
    %dma_start3A_3 = arith.constant 0 : i32
    %dma_start3A_4 = tpu.memref_slice %arg2[%dma_start3A, %dma_start3A_3] : memref<80000x128xf32, #tpu.memory_space<hbm>> -> memref<80000x128xf32, #tpu.memory_space<hbm>>
    tpu.enqueue_indirect_dma source(%dma_start3A_4 : memref<80000x128xf32, #tpu.memory_space<hbm>>) target(%arg6 : memref<128x128xf32, #tpu.memory_space<vmem>>) offsets(%arg5 : memref<128xi32, #tpu.memory_space<vmem>>) semaphore(%arg7 : memref<!tpu.dma_semaphore, #tpu.memory_space<semaphore_mem>>)
    %dma_wait3A = arith.constant 0 : i32
    %dma_wait3A_5 = arith.constant 0 : i32
    %dma_wait3A_6 = tpu.memref_slice %arg2[%dma_wait3A, %dma_wait3A_5] : memref<80000x128xf32, #tpu.memory_space<hbm>> -> memref<80000x128xf32, #tpu.memory_space<hbm>>
    tpu.wait_indirect_dma semaphore(%arg7 : memref<!tpu.dma_semaphore, #tpu.memory_space<semaphore_mem>>) src(%dma_wait3A_6 : memref<80000x128xf32, #tpu.memory_space<hbm>>) dst(%arg6 : memref<128x128xf32, #tpu.memory_space<vmem>>)
    "tpu.region"() ({
      %run_scoped3A = tpu.sem_alloc : memref<!tpu.dma_semaphore, #tpu.memory_space<semaphore_mem>>
      %dma_start3A_7 = arith.constant 0 : i32
      %dma_start3A_8 = tpu.memref_slice %arg4[%mul3A_2, %dma_start3A_7] : memref<4096x128xf32, #tpu.memory_space<hbm>> -> memref<128x128xf32, #tpu.memory_space<hbm>>
      %dma_start3A_9 = arith.constant 0 : i32
      %dma_start3A_10 = tpu.memref_slice %arg4[%mul3A_2, %dma_start3A_9] : memref<4096x128xf32, #tpu.memory_space<hbm>> -> memref<128x128xf32, #tpu.memory_space<hbm>>
      tpu.enqueue_dma source(%arg6 : memref<128x128xf32, #tpu.memory_space<vmem>>) target(%dma_start3A_10 : memref<128x128xf32, #tpu.memory_space<hbm>>) target_semaphore(%run_scoped3A : memref<!tpu.dma_semaphore, #tpu.memory_space<semaphore_mem>>)
      %dma_wait3A_11 = arith.constant 0 : i32
      %dma_wait3A_12 = tpu.memref_slice %arg4[%mul3A_2, %dma_wait3A_11] : memref<4096x128xf32, #tpu.memory_space<hbm>> -> memref<128x128xf32, #tpu.memory_space<hbm>>
      %dma_wait3A_13 = arith.constant 0 : i32
      %dma_wait3A_14 = tpu.memref_slice %arg4[%mul3A_2, %dma_wait3A_13] : memref<4096x128xf32, #tpu.memory_space<hbm>> -> memref<128x128xf32, #tpu.memory_space<hbm>>
      tpu.wait_dma2 semaphore(%run_scoped3A : memref<!tpu.dma_semaphore, #tpu.memory_space<semaphore_mem>>) src(%arg6 : memref<128x128xf32, #tpu.memory_space<vmem>>) dst(%dma_wait3A_14 : memref<128x128xf32, #tpu.memory_space<hbm>>)
      tpu.yield
    }) : () -> ()
    return
  }
}

module attributes {stable_mosaic.version = 14 : i64} {
  func.func @_score_body(%arg0: i32, %arg1: memref<1x3x20000xf32, #tpu.memory_space<vmem>>, %arg2: memref<1x1x20000xf32, #tpu.memory_space<vmem>>, %arg3: memref<1x1x20000xf32, #tpu.memory_space<vmem>>) attributes {dimension_semantics = [#tpu.dimension_semantics<parallel>], iteration_bounds = array<i64: 4>, scalar_prefetch = 0 : i64, scratch_operands = 0 : i64, tpu.core_type = #tpu.core_type<tc>, window_params = [{transform_indices = @transform_0, window_bounds = array<i64: 1, 3, 20000>}, {transform_indices = @transform_1, window_bounds = array<i64: 1, 1, 20000>}, {transform_indices = @transform_2, window_bounds = array<i64: 1, 1, 20000>}]} {
    %get3A = arith.constant 0 : index
    %get3A_0 = arith.constant 0 : index
    %get3A_1 = arith.constant 0 : index
    %get3A_2 = vector.load %arg1[%get3A, %get3A_0, %get3A_1] : memref<1x3x20000xf32, #tpu.memory_space<vmem>>, vector<1x3x20000xf32>
    %get3A_3 = vector.shape_cast %get3A_2 : vector<1x3x20000xf32> to vector<3x20000xf32>
    %slice3A = vector.extract_strided_slice %get3A_3 {offsets = [0, 0], sizes = [1, 20000], strides = [1, 1]} : vector<3x20000xf32> to vector<1x20000xf32>
    %slice3A_4 = vector.extract_strided_slice %get3A_3 {offsets = [1, 0], sizes = [1, 20000], strides = [1, 1]} : vector<3x20000xf32> to vector<1x20000xf32>
    %slice3A_5 = vector.extract_strided_slice %get3A_3 {offsets = [2, 0], sizes = [1, 20000], strides = [1, 1]} : vector<3x20000xf32> to vector<1x20000xf32>
    %max3A = arith.maximumf %slice3A, %slice3A_4 : vector<1x20000xf32>
    %max3A_6 = arith.maximumf %max3A, %slice3A_5 : vector<1x20000xf32>
    %ge3A = arith.cmpf oge, %slice3A, %slice3A_4 : vector<1x20000xf32>
    %ge3A_7 = arith.cmpf oge, %slice3A, %slice3A_5 : vector<1x20000xf32>
    %jit3A = arith.constant 1.000000e+00 : f32
    %jit3A_8 = arith.constant 3.000000e+00 : f32
    %broadcast_in_dim3A = vector.broadcast %jit3A : f32 to vector<1x20000xf32>
    %broadcast_in_dim3A_9 = vector.broadcast %jit3A_8 : f32 to vector<1x20000xf32>
    %select_n3A = arith.select %ge3A_7, %broadcast_in_dim3A, %broadcast_in_dim3A_9 : vector<1x20000xi1>, vector<1x20000xf32>
    %ge3A_10 = arith.cmpf oge, %slice3A_4, %slice3A_5 : vector<1x20000xf32>
    %jit3A_11 = arith.constant 2.000000e+00 : f32
    %jit3A_12 = arith.constant 3.000000e+00 : f32
    %broadcast_in_dim3A_13 = vector.broadcast %jit3A_11 : f32 to vector<1x20000xf32>
    %broadcast_in_dim3A_14 = vector.broadcast %jit3A_12 : f32 to vector<1x20000xf32>
    %select_n3A_15 = arith.select %ge3A_10, %broadcast_in_dim3A_13, %broadcast_in_dim3A_14 : vector<1x20000xi1>, vector<1x20000xf32>
    %select_n3A_16 = arith.select %ge3A, %select_n3A, %select_n3A_15 : vector<1x20000xi1>, vector<1x20000xf32>
    %gt3A = arith.constant 1.000000e-01 : f32
    %gt3A_17 = vector.broadcast %gt3A : f32 to vector<1x20000xf32>
    %gt3A_18 = arith.cmpf ogt, %max3A_6, %gt3A_17 : vector<1x20000xf32>
    %jit3A_19 = arith.constant -1.000000e+00 : f32
    %broadcast_in_dim3A_20 = vector.broadcast %jit3A_19 : f32 to vector<1x20000xf32>
    %select_n3A_21 = arith.select %gt3A_18, %max3A_6, %broadcast_in_dim3A_20 : vector<1x20000xi1>, vector<1x20000xf32>
    %swap3A = arith.constant 0 : index
    %swap3A_22 = arith.constant 0 : index
    %swap3A_23 = arith.constant 0 : index
    %swap3A_24 = vector.load %arg2[%swap3A, %swap3A_22, %swap3A_23] : memref<1x1x20000xf32, #tpu.memory_space<vmem>>, vector<1x1x20000xf32>
    %swap3A_25 = vector.shape_cast %swap3A_24 : vector<1x1x20000xf32> to vector<1x20000xf32>
    %swap3A_26 = vector.shape_cast %select_n3A_21 : vector<1x20000xf32> to vector<1x1x20000xf32>
    tpu.vector_store %arg2[%swap3A, %swap3A_22, %swap3A_23], %swap3A_26 {strides = array<i32>} : memref<1x1x20000xf32, #tpu.memory_space<vmem>>, vector<1x1x20000xf32>,
    %swap3A_27 = arith.constant 0 : index
    %swap3A_28 = arith.constant 0 : index
    %swap3A_29 = arith.constant 0 : index
    %swap3A_30 = vector.load %arg3[%swap3A_27, %swap3A_28, %swap3A_29] : memref<1x1x20000xf32, #tpu.memory_space<vmem>>, vector<1x1x20000xf32>
    %swap3A_31 = vector.shape_cast %swap3A_30 : vector<1x1x20000xf32> to vector<1x20000xf32>
    %swap3A_32 = vector.shape_cast %select_n3A_16 : vector<1x20000xf32> to vector<1x1x20000xf32>
    tpu.vector_store %arg3[%swap3A_27, %swap3A_28, %swap3A_29], %swap3A_32 {strides = array<i32>} : memref<1x1x20000xf32, #tpu.memory_space<vmem>>, vector<1x1x20000xf32>,
    return
  }
  func.func @transform_0(%arg0: i32) -> (i32, i32, i32) {
    %c0_i32 = arith.constant 0 : i32
    %c0_i32_0 = arith.constant 0 : i32
    %c0_i32_1 = arith.constant 0 : i32
    return %arg0, %c0_i32, %c0_i32_0 : i32, i32, i32
  }
  func.func @transform_1(%arg0: i32) -> (i32, i32, i32) {
    %c0_i32 = arith.constant 0 : i32
    %c0_i32_0 = arith.constant 0 : i32
    %c0_i32_1 = arith.constant 0 : i32
    return %arg0, %c0_i32, %c0_i32_0 : i32, i32, i32
  }
  func.func @transform_2(%arg0: i32) -> (i32, i32, i32) {
    %c0_i32 = arith.constant 0 : i32
    %c0_i32_0 = arith.constant 0 : i32
    %c0_i32_1 = arith.constant 0 : i32
    return %arg0, %c0_i32, %c0_i32_0 : i32, i32, i32
  }
}

module attributes {stable_mosaic.version = 14 : i64} {
  func.func @_nms_body(%arg0: i32, %arg1: memref<1x1024x128xf32, #tpu.memory_space<vmem>>, %arg2: memref<1x1x1024xf32, #tpu.memory_space<vmem>>, %arg3: memref<1x256x7xf32, #tpu.memory_space<vmem>>, %arg4: memref<1x256x1xf32, #tpu.memory_space<vmem>>, %arg5: memref<1x256x1xi32, #tpu.memory_space<vmem>>, %arg6: memref<1024x1024xf32, #tpu.memory_space<vmem>>) attributes {dimension_semantics = [#tpu.dimension_semantics<parallel>], iteration_bounds = array<i64: 4>, scalar_prefetch = 0 : i64, scratch_operands = 1 : i64, tpu.core_type = #tpu.core_type<tc>, window_params = [{transform_indices = @transform_0, window_bounds = array<i64: 1, 1024, 128>}, {transform_indices = @transform_1, window_bounds = array<i64: 1, 1, 1024>}, {transform_indices = @transform_2, window_bounds = array<i64: 1, 256, 7>}, {transform_indices = @transform_3, window_bounds = array<i64: 1, 256, 1>}, {transform_indices = @transform_4, window_bounds = array<i64: 1, 256, 1>}]} {
    %get3A = arith.constant 0 : index
    %get3A_0 = arith.constant 0 : index
    %get3A_1 = arith.constant 0 : index
    %get3A_2 = vector.load %arg1[%get3A, %get3A_0, %get3A_1] : memref<1x1024x128xf32, #tpu.memory_space<vmem>>, vector<1x1024x1xf32>
    %get3A_3 = vector.shape_cast %get3A_2 : vector<1x1024x1xf32> to vector<1024x1xf32>
    %get3A_4 = arith.constant 0 : index
    %get3A_5 = arith.constant 0 : index
    %get3A_6 = arith.constant 1 : index
    %get3A_7 = vector.load %arg1[%get3A_4, %get3A_5, %get3A_6] : memref<1x1024x128xf32, #tpu.memory_space<vmem>>, vector<1x1024x1xf32>
    %get3A_8 = vector.shape_cast %get3A_7 : vector<1x1024x1xf32> to vector<1024x1xf32>
    %get3A_9 = arith.constant 0 : index
    %get3A_10 = arith.constant 0 : index
    %get3A_11 = arith.constant 3 : index
    %get3A_12 = vector.load %arg1[%get3A_9, %get3A_10, %get3A_11] : memref<1x1024x128xf32, #tpu.memory_space<vmem>>, vector<1x1024x1xf32>
    %get3A_13 = vector.shape_cast %get3A_12 : vector<1x1024x1xf32> to vector<1024x1xf32>
    %get3A_14 = arith.constant 0 : index
    %get3A_15 = arith.constant 0 : index
    %get3A_16 = arith.constant 4 : index
    %get3A_17 = vector.load %arg1[%get3A_14, %get3A_15, %get3A_16] : memref<1x1024x128xf32, #tpu.memory_space<vmem>>, vector<1x1024x1xf32>
    %get3A_18 = vector.shape_cast %get3A_17 : vector<1x1024x1xf32> to vector<1024x1xf32>
    %mul3A = arith.constant 5.000000e-01 : f32
    %mul3A_19 = vector.broadcast %mul3A : f32 to vector<1024x1xf32>
    %mul3A_20 = arith.mulf %get3A_13, %mul3A_19 : vector<1024x1xf32>
    %sub3A = arith.subf %get3A_3, %mul3A_20 : vector<1024x1xf32>
    %mul3A_21 = arith.constant 5.000000e-01 : f32
    %mul3A_22 = vector.broadcast %mul3A_21 : f32 to vector<1024x1xf32>
    %mul3A_23 = arith.mulf %get3A_13, %mul3A_22 : vector<1024x1xf32>
    %add3A = arith.addf %get3A_3, %mul3A_23 : vector<1024x1xf32>
    %mul3A_24 = arith.constant 5.000000e-01 : f32
    %mul3A_25 = vector.broadcast %mul3A_24 : f32 to vector<1024x1xf32>
    %mul3A_26 = arith.mulf %get3A_18, %mul3A_25 : vector<1024x1xf32>
    %sub3A_27 = arith.subf %get3A_8, %mul3A_26 : vector<1024x1xf32>
    %mul3A_28 = arith.constant 5.000000e-01 : f32
    %mul3A_29 = vector.broadcast %mul3A_28 : f32 to vector<1024x1xf32>
    %mul3A_30 = arith.mulf %get3A_18, %mul3A_29 : vector<1024x1xf32>
    %add3A_31 = arith.addf %get3A_8, %mul3A_30 : vector<1024x1xf32>
    %mul3A_32 = arith.mulf %get3A_13, %get3A_18 : vector<1024x1xf32>
    %iota3A = tpu.iota {dimensions = array<i32: 1>} : vector<128x1024xi32>
    %broadcast_in_dim3A = arith.constant 0.000000e+00 : f32
    %broadcast_in_dim3A_33 = vector.broadcast %broadcast_in_dim3A : f32 to vector<1x1024xf32>
    %iota3A_34 = tpu.iota {dimensions = array<i32: 0>} : vector<128x1024xi32>
    %add3A_35 = arith.constant 0 : i32
    %add3A_36 = vector.broadcast %add3A_35 : i32 to vector<128x1024xi32>
    %add3A_37 = arith.addi %iota3A_34, %add3A_36 : vector<128x1024xi32>
    %eq3A = arith.cmpi eq, %add3A_37, %iota3A : vector<128x1024xi32>
    %slice3A = vector.extract_strided_slice %sub3A {offsets = [0, 0], sizes = [128, 1], strides = [1, 1]} : vector<1024x1xf32> to vector<128x1xf32>
    %jit3A = arith.constant 0.000000e+00 : f32
    %broadcast_in_dim3A_38 = vector.shape_cast %slice3A : vector<128x1xf32> to vector<128x1xf32>
    %broadcast_in_dim3A_39 = vector.broadcast %broadcast_in_dim3A_38 : vector<128x1xf32> to vector<128x1024xf32>
    %broadcast_in_dim3A_40 = vector.broadcast %jit3A : f32 to vector<128x1024xf32>
    %select_n3A = arith.select %eq3A, %broadcast_in_dim3A_39, %broadcast_in_dim3A_40 : vector<128x1024xi1>, vector<128x1024xf32>
    %reduce_sum3A = arith.constant dense<0.000000e+00> : vector<1024xf32>
    %reduce_sum3A_41 = vector.multi_reduction <add>, %select_n3A, %reduce_sum3A [0] : vector<128x1024xf32> to vector<1024xf32>
    %broadcast_in_dim3A_42 = vector.shape_cast %reduce_sum3A_41 : vector<1024xf32> to vector<1x1024xf32>
    %add3A_43 = arith.addf %broadcast_in_dim3A_33, %broadcast_in_dim3A_42 : vector<1x1024xf32>
    %iota3A_44 = tpu.iota {dimensions = array<i32: 0>} : vector<128x1024xi32>
    %add3A_45 = arith.constant 128 : i32
    %add3A_46 = vector.broadcast %add3A_45 : i32 to vector<128x1024xi32>
    %add3A_47 = arith.addi %iota3A_44, %add3A_46 : vector<128x1024xi32>
    %eq3A_48 = arith.cmpi eq, %add3A_47, %iota3A : vector<128x1024xi32>
    %slice3A_49 = vector.extract_strided_slice %sub3A {offsets = [128, 0], sizes = [128, 1], strides = [1, 1]} : vector<1024x1xf32> to vector<128x1xf32>
    %jit3A_50 = arith.constant 0.000000e+00 : f32
    %broadcast_in_dim3A_51 = vector.shape_cast %slice3A_49 : vector<128x1xf32> to vector<128x1xf32>
    %broadcast_in_dim3A_52 = vector.broadcast %broadcast_in_dim3A_51 : vector<128x1xf32> to vector<128x1024xf32>
    %broadcast_in_dim3A_53 = vector.broadcast %jit3A_50 : f32 to vector<128x1024xf32>
    %select_n3A_54 = arith.select %eq3A_48, %broadcast_in_dim3A_52, %broadcast_in_dim3A_53 : vector<128x1024xi1>, vector<128x1024xf32>
    %reduce_sum3A_55 = arith.constant dense<0.000000e+00> : vector<1024xf32>
    %reduce_sum3A_56 = vector.multi_reduction <add>, %select_n3A_54, %reduce_sum3A_55 [0] : vector<128x1024xf32> to vector<1024xf32>
    %broadcast_in_dim3A_57 = vector.shape_cast %reduce_sum3A_56 : vector<1024xf32> to vector<1x1024xf32>
    %add3A_58 = arith.addf %add3A_43, %broadcast_in_dim3A_57 : vector<1x1024xf32>
    %iota3A_59 = tpu.iota {dimensions = array<i32: 0>} : vector<128x1024xi32>
    %add3A_60 = arith.constant 256 : i32
    %add3A_61 = vector.broadcast %add3A_60 : i32 to vector<128x1024xi32>
    %add3A_62 = arith.addi %iota3A_59, %add3A_61 : vector<128x1024xi32>
    %eq3A_63 = arith.cmpi eq, %add3A_62, %iota3A : vector<128x1024xi32>
    %slice3A_64 = vector.extract_strided_slice %sub3A {offsets = [256, 0], sizes = [128, 1], strides = [1, 1]} : vector<1024x1xf32> to vector<128x1xf32>
    %jit3A_65 = arith.constant 0.000000e+00 : f32
    %broadcast_in_dim3A_66 = vector.shape_cast %slice3A_64 : vector<128x1xf32> to vector<128x1xf32>
    %broadcast_in_dim3A_67 = vector.broadcast %broadcast_in_dim3A_66 : vector<128x1xf32> to vector<128x1024xf32>
    %broadcast_in_dim3A_68 = vector.broadcast %jit3A_65 : f32 to vector<128x1024xf32>
    %select_n3A_69 = arith.select %eq3A_63, %broadcast_in_dim3A_67, %broadcast_in_dim3A_68 : vector<128x1024xi1>, vector<128x1024xf32>
    %reduce_sum3A_70 = arith.constant dense<0.000000e+00> : vector<1024xf32>
    %reduce_sum3A_71 = vector.multi_reduction <add>, %select_n3A_69, %reduce_sum3A_70 [0] : vector<128x1024xf32> to vector<1024xf32>
    %broadcast_in_dim3A_72 = vector.shape_cast %reduce_sum3A_71 : vector<1024xf32> to vector<1x1024xf32>
    %add3A_73 = arith.addf %add3A_58, %broadcast_in_dim3A_72 : vector<1x1024xf32>
    %iota3A_74 = tpu.iota {dimensions = array<i32: 0>} : vector<128x1024xi32>
    %add3A_75 = arith.constant 384 : i32
    %add3A_76 = vector.broadcast %add3A_75 : i32 to vector<128x1024xi32>
    %add3A_77 = arith.addi %iota3A_74, %add3A_76 : vector<128x1024xi32>
    %eq3A_78 = arith.cmpi eq, %add3A_77, %iota3A : vector<128x1024xi32>
    %slice3A_79 = vector.extract_strided_slice %sub3A {offsets = [384, 0], sizes = [128, 1], strides = [1, 1]} : vector<1024x1xf32> to vector<128x1xf32>
    %jit3A_80 = arith.constant 0.000000e+00 : f32
    %broadcast_in_dim3A_81 = vector.shape_cast %slice3A_79 : vector<128x1xf32> to vector<128x1xf32>
    %broadcast_in_dim3A_82 = vector.broadcast %broadcast_in_dim3A_81 : vector<128x1xf32> to vector<128x1024xf32>
    %broadcast_in_dim3A_83 = vector.broadcast %jit3A_80 : f32 to vector<128x1024xf32>
    %select_n3A_84 = arith.select %eq3A_78, %broadcast_in_dim3A_82, %broadcast_in_dim3A_83 : vector<128x1024xi1>, vector<128x1024xf32>
    %reduce_sum3A_85 = arith.constant dense<0.000000e+00> : vector<1024xf32>
    %reduce_sum3A_86 = vector.multi_reduction <add>, %select_n3A_84, %reduce_sum3A_85 [0] : vector<128x1024xf32> to vector<1024xf32>
    %broadcast_in_dim3A_87 = vector.shape_cast %reduce_sum3A_86 : vector<1024xf32> to vector<1x1024xf32>
    %add3A_88 = arith.addf %add3A_73, %broadcast_in_dim3A_87 : vector<1x1024xf32>
    %iota3A_89 = tpu.iota {dimensions = array<i32: 0>} : vector<128x1024xi32>
    %add3A_90 = arith.constant 512 : i32
    %add3A_91 = vector.broadcast %add3A_90 : i32 to vector<128x1024xi32>
    %add3A_92 = arith.addi %iota3A_89, %add3A_91 : vector<128x1024xi32>
    %eq3A_93 = arith.cmpi eq, %add3A_92, %iota3A : vector<128x1024xi32>
    %slice3A_94 = vector.extract_strided_slice %sub3A {offsets = [512, 0], sizes = [128, 1], strides = [1, 1]} : vector<1024x1xf32> to vector<128x1xf32>
    %jit3A_95 = arith.constant 0.000000e+00 : f32
    %broadcast_in_dim3A_96 = vector.shape_cast %slice3A_94 : vector<128x1xf32> to vector<128x1xf32>
    %broadcast_in_dim3A_97 = vector.broadcast %broadcast_in_dim3A_96 : vector<128x1xf32> to vector<128x1024xf32>
    %broadcast_in_dim3A_98 = vector.broadcast %jit3A_95 : f32 to vector<128x1024xf32>
    %select_n3A_99 = arith.select %eq3A_93, %broadcast_in_dim3A_97, %broadcast_in_dim3A_98 : vector<128x1024xi1>, vector<128x1024xf32>
    %reduce_sum3A_100 = arith.constant dense<0.000000e+00> : vector<1024xf32>
    %reduce_sum3A_101 = vector.multi_reduction <add>, %select_n3A_99, %reduce_sum3A_100 [0] : vector<128x1024xf32> to vector<1024xf32>
    %broadcast_in_dim3A_102 = vector.shape_cast %reduce_sum3A_101 : vector<1024xf32> to vector<1x1024xf32>
    %add3A_103 = arith.addf %add3A_88, %broadcast_in_dim3A_102 : vector<1x1024xf32>
    %iota3A_104 = tpu.iota {dimensions = array<i32: 0>} : vector<128x1024xi32>
    %add3A_105 = arith.constant 640 : i32
    %add3A_106 = vector.broadcast %add3A_105 : i32 to vector<128x1024xi32>
    %add3A_107 = arith.addi %iota3A_104, %add3A_106 : vector<128x1024xi32>
    %eq3A_108 = arith.cmpi eq, %add3A_107, %iota3A : vector<128x1024xi32>
    %slice3A_109 = vector.extract_strided_slice %sub3A {offsets = [640, 0], sizes = [128, 1], strides = [1, 1]} : vector<1024x1xf32> to vector<128x1xf32>
    %jit3A_110 = arith.constant 0.000000e+00 : f32
    %broadcast_in_dim3A_111 = vector.shape_cast %slice3A_109 : vector<128x1xf32> to vector<128x1xf32>
    %broadcast_in_dim3A_112 = vector.broadcast %broadcast_in_dim3A_111 : vector<128x1xf32> to vector<128x1024xf32>
    %broadcast_in_dim3A_113 = vector.broadcast %jit3A_110 : f32 to vector<128x1024xf32>
    %select_n3A_114 = arith.select %eq3A_108, %broadcast_in_dim3A_112, %broadcast_in_dim3A_113 : vector<128x1024xi1>, vector<128x1024xf32>
    %reduce_sum3A_115 = arith.constant dense<0.000000e+00> : vector<1024xf32>
    %reduce_sum3A_116 = vector.multi_reduction <add>, %select_n3A_114, %reduce_sum3A_115 [0] : vector<128x1024xf32> to vector<1024xf32>
    %broadcast_in_dim3A_117 = vector.shape_cast %reduce_sum3A_116 : vector<1024xf32> to vector<1x1024xf32>
    %add3A_118 = arith.addf %add3A_103, %broadcast_in_dim3A_117 : vector<1x1024xf32>
    %iota3A_119 = tpu.iota {dimensions = array<i32: 0>} : vector<128x1024xi32>
    %add3A_120 = arith.constant 768 : i32
    %add3A_121 = vector.broadcast %add3A_120 : i32 to vector<128x1024xi32>
    %add3A_122 = arith.addi %iota3A_119, %add3A_121 : vector<128x1024xi32>
    %eq3A_123 = arith.cmpi eq, %add3A_122, %iota3A : vector<128x1024xi32>
    %slice3A_124 = vector.extract_strided_slice %sub3A {offsets = [768, 0], sizes = [128, 1], strides = [1, 1]} : vector<1024x1xf32> to vector<128x1xf32>
    %jit3A_125 = arith.constant 0.000000e+00 : f32
    %broadcast_in_dim3A_126 = vector.shape_cast %slice3A_124 : vector<128x1xf32> to vector<128x1xf32>
    %broadcast_in_dim3A_127 = vector.broadcast %broadcast_in_dim3A_126 : vector<128x1xf32> to vector<128x1024xf32>
    %broadcast_in_dim3A_128 = vector.broadcast %jit3A_125 : f32 to vector<128x1024xf32>
    %select_n3A_129 = arith.select %eq3A_123, %broadcast_in_dim3A_127, %broadcast_in_dim3A_128 : vector<128x1024xi1>, vector<128x1024xf32>
    %reduce_sum3A_130 = arith.constant dense<0.000000e+00> : vector<1024xf32>
    %reduce_sum3A_131 = vector.multi_reduction <add>, %select_n3A_129, %reduce_sum3A_130 [0] : vector<128x1024xf32> to vector<1024xf32>
    %broadcast_in_dim3A_132 = vector.shape_cast %reduce_sum3A_131 : vector<1024xf32> to vector<1x1024xf32>
    %add3A_133 = arith.addf %add3A_118, %broadcast_in_dim3A_132 : vector<1x1024xf32>
    %iota3A_134 = tpu.iota {dimensions = array<i32: 0>} : vector<128x1024xi32>
    %add3A_135 = arith.constant 896 : i32
    %add3A_136 = vector.broadcast %add3A_135 : i32 to vector<128x1024xi32>
    %add3A_137 = arith.addi %iota3A_134, %add3A_136 : vector<128x1024xi32>
    %eq3A_138 = arith.cmpi eq, %add3A_137, %iota3A : vector<128x1024xi32>
    %slice3A_139 = vector.extract_strided_slice %sub3A {offsets = [896, 0], sizes = [128, 1], strides = [1, 1]} : vector<1024x1xf32> to vector<128x1xf32>
    %jit3A_140 = arith.constant 0.000000e+00 : f32
    %broadcast_in_dim3A_141 = vector.shape_cast %slice3A_139 : vector<128x1xf32> to vector<128x1xf32>
    %broadcast_in_dim3A_142 = vector.broadcast %broadcast_in_dim3A_141 : vector<128x1xf32> to vector<128x1024xf32>
    %broadcast_in_dim3A_143 = vector.broadcast %jit3A_140 : f32 to vector<128x1024xf32>
    %select_n3A_144 = arith.select %eq3A_138, %broadcast_in_dim3A_142, %broadcast_in_dim3A_143 : vector<128x1024xi1>, vector<128x1024xf32>
    %reduce_sum3A_145 = arith.constant dense<0.000000e+00> : vector<1024xf32>
    %reduce_sum3A_146 = vector.multi_reduction <add>, %select_n3A_144, %reduce_sum3A_145 [0] : vector<128x1024xf32> to vector<1024xf32>
    %broadcast_in_dim3A_147 = vector.shape_cast %reduce_sum3A_146 : vector<1024xf32> to vector<1x1024xf32>
    %add3A_148 = arith.addf %add3A_133, %broadcast_in_dim3A_147 : vector<1x1024xf32>
    %iota3A_149 = tpu.iota {dimensions = array<i32: 1>} : vector<128x1024xi32>
    %broadcast_in_dim3A_150 = arith.constant 0.000000e+00 : f32
    %broadcast_in_dim3A_151 = vector.broadcast %broadcast_in_dim3A_150 : f32 to vector<1x1024xf32>
    %iota3A_152 = tpu.iota {dimensions = array<i32: 0>} : vector<128x1024xi32>
    %add3A_153 = arith.constant 0 : i32
    %add3A_154 = vector.broadcast %add3A_153 : i32 to vector<128x1024xi32>
    %add3A_155 = arith.addi %iota3A_152, %add3A_154 : vector<128x1024xi32>
    %eq3A_156 = arith.cmpi eq, %add3A_155, %iota3A_149 : vector<128x1024xi32>
    %slice3A_157 = vector.extract_strided_slice %add3A {offsets = [0, 0], sizes = [128, 1], strides = [1, 1]} : vector<1024x1xf32> to vector<128x1xf32>
    %jit3A_158 = arith.constant 0.000000e+00 : f32
    %broadcast_in_dim3A_159 = vector.shape_cast %slice3A_157 : vector<128x1xf32> to vector<128x1xf32>
    %broadcast_in_dim3A_160 = vector.broadcast %broadcast_in_dim3A_159 : vector<128x1xf32> to vector<128x1024xf32>
    %broadcast_in_dim3A_161 = vector.broadcast %jit3A_158 : f32 to vector<128x1024xf32>
    %select_n3A_162 = arith.select %eq3A_156, %broadcast_in_dim3A_160, %broadcast_in_dim3A_161 : vector<128x1024xi1>, vector<128x1024xf32>
    %reduce_sum3A_163 = arith.constant dense<0.000000e+00> : vector<1024xf32>
    %reduce_sum3A_164 = vector.multi_reduction <add>, %select_n3A_162, %reduce_sum3A_163 [0] : vector<128x1024xf32> to vector<1024xf32>
    %broadcast_in_dim3A_165 = vector.shape_cast %reduce_sum3A_164 : vector<1024xf32> to vector<1x1024xf32>
    %add3A_166 = arith.addf %broadcast_in_dim3A_151, %broadcast_in_dim3A_165 : vector<1x1024xf32>
    %iota3A_167 = tpu.iota {dimensions = array<i32: 0>} : vector<128x1024xi32>
    %add3A_168 = arith.constant 128 : i32
    %add3A_169 = vector.broadcast %add3A_168 : i32 to vector<128x1024xi32>
    %add3A_170 = arith.addi %iota3A_167, %add3A_169 : vector<128x1024xi32>
    %eq3A_171 = arith.cmpi eq, %add3A_170, %iota3A_149 : vector<128x1024xi32>
    %slice3A_172 = vector.extract_strided_slice %add3A {offsets = [128, 0], sizes = [128, 1], strides = [1, 1]} : vector<1024x1xf32> to vector<128x1xf32>
    %jit3A_173 = arith.constant 0.000000e+00 : f32
    %broadcast_in_dim3A_174 = vector.shape_cast %slice3A_172 : vector<128x1xf32> to vector<128x1xf32>
    %broadcast_in_dim3A_175 = vector.broadcast %broadcast_in_dim3A_174 : vector<128x1xf32> to vector<128x1024xf32>
    %broadcast_in_dim3A_176 = vector.broadcast %jit3A_173 : f32 to vector<128x1024xf32>
    %select_n3A_177 = arith.select %eq3A_171, %broadcast_in_dim3A_175, %broadcast_in_dim3A_176 : vector<128x1024xi1>, vector<128x1024xf32>
    %reduce_sum3A_178 = arith.constant dense<0.000000e+00> : vector<1024xf32>
    %reduce_sum3A_179 = vector.multi_reduction <add>, %select_n3A_177, %reduce_sum3A_178 [0] : vector<128x1024xf32> to vector<1024xf32>
    %broadcast_in_dim3A_180 = vector.shape_cast %reduce_sum3A_179 : vector<1024xf32> to vector<1x1024xf32>
    %add3A_181 = arith.addf %add3A_166, %broadcast_in_dim3A_180 : vector<1x1024xf32>
    %iota3A_182 = tpu.iota {dimensions = array<i32: 0>} : vector<128x1024xi32>
    %add3A_183 = arith.constant 256 : i32
    %add3A_184 = vector.broadcast %add3A_183 : i32 to vector<128x1024xi32>
    %add3A_185 = arith.addi %iota3A_182, %add3A_184 : vector<128x1024xi32>
    %eq3A_186 = arith.cmpi eq, %add3A_185, %iota3A_149 : vector<128x1024xi32>
    %slice3A_187 = vector.extract_strided_slice %add3A {offsets = [256, 0], sizes = [128, 1], strides = [1, 1]} : vector<1024x1xf32> to vector<128x1xf32>
    %jit3A_188 = arith.constant 0.000000e+00 : f32
    %broadcast_in_dim3A_189 = vector.shape_cast %slice3A_187 : vector<128x1xf32> to vector<128x1xf32>
    %broadcast_in_dim3A_190 = vector.broadcast %broadcast_in_dim3A_189 : vector<128x1xf32> to vector<128x1024xf32>
    %broadcast_in_dim3A_191 = vector.broadcast %jit3A_188 : f32 to vector<128x1024xf32>
    %select_n3A_192 = arith.select %eq3A_186, %broadcast_in_dim3A_190, %broadcast_in_dim3A_191 : vector<128x1024xi1>, vector<128x1024xf32>
    %reduce_sum3A_193 = arith.constant dense<0.000000e+00> : vector<1024xf32>
    %reduce_sum3A_194 = vector.multi_reduction <add>, %select_n3A_192, %reduce_sum3A_193 [0] : vector<128x1024xf32> to vector<1024xf32>
    %broadcast_in_dim3A_195 = vector.shape_cast %reduce_sum3A_194 : vector<1024xf32> to vector<1x1024xf32>
    %add3A_196 = arith.addf %add3A_181, %broadcast_in_dim3A_195 : vector<1x1024xf32>
    %iota3A_197 = tpu.iota {dimensions = array<i32: 0>} : vector<128x1024xi32>
    %add3A_198 = arith.constant 384 : i32
    %add3A_199 = vector.broadcast %add3A_198 : i32 to vector<128x1024xi32>
    %add3A_200 = arith.addi %iota3A_197, %add3A_199 : vector<128x1024xi32>
    %eq3A_201 = arith.cmpi eq, %add3A_200, %iota3A_149 : vector<128x1024xi32>
    %slice3A_202 = vector.extract_strided_slice %add3A {offsets = [384, 0], sizes = [128, 1], strides = [1, 1]} : vector<1024x1xf32> to vector<128x1xf32>
    %jit3A_203 = arith.constant 0.000000e+00 : f32
    %broadcast_in_dim3A_204 = vector.shape_cast %slice3A_202 : vector<128x1xf32> to vector<128x1xf32>
    %broadcast_in_dim3A_205 = vector.broadcast %broadcast_in_dim3A_204 : vector<128x1xf32> to vector<128x1024xf32>
    %broadcast_in_dim3A_206 = vector.broadcast %jit3A_203 : f32 to vector<128x1024xf32>
    %select_n3A_207 = arith.select %eq3A_201, %broadcast_in_dim3A_205, %broadcast_in_dim3A_206 : vector<128x1024xi1>, vector<128x1024xf32>
    %reduce_sum3A_208 = arith.constant dense<0.000000e+00> : vector<1024xf32>
    %reduce_sum3A_209 = vector.multi_reduction <add>, %select_n3A_207, %reduce_sum3A_208 [0] : vector<128x1024xf32> to vector<1024xf32>
    %broadcast_in_dim3A_210 = vector.shape_cast %reduce_sum3A_209 : vector<1024xf32> to vector<1x1024xf32>
    %add3A_211 = arith.addf %add3A_196, %broadcast_in_dim3A_210 : vector<1x1024xf32>
    %iota3A_212 = tpu.iota {dimensions = array<i32: 0>} : vector<128x1024xi32>
    %add3A_213 = arith.constant 512 : i32
    %add3A_214 = vector.broadcast %add3A_213 : i32 to vector<128x1024xi32>
    %add3A_215 = arith.addi %iota3A_212, %add3A_214 : vector<128x1024xi32>
    %eq3A_216 = arith.cmpi eq, %add3A_215, %iota3A_149 : vector<128x1024xi32>
    %slice3A_217 = vector.extract_strided_slice %add3A {offsets = [512, 0], sizes = [128, 1], strides = [1, 1]} : vector<1024x1xf32> to vector<128x1xf32>
    %jit3A_218 = arith.constant 0.000000e+00 : f32
    %broadcast_in_dim3A_219 = vector.shape_cast %slice3A_217 : vector<128x1xf32> to vector<128x1xf32>
    %broadcast_in_dim3A_220 = vector.broadcast %broadcast_in_dim3A_219 : vector<128x1xf32> to vector<128x1024xf32>
    %broadcast_in_dim3A_221 = vector.broadcast %jit3A_218 : f32 to vector<128x1024xf32>
    %select_n3A_222 = arith.select %eq3A_216, %broadcast_in_dim3A_220, %broadcast_in_dim3A_221 : vector<128x1024xi1>, vector<128x1024xf32>
    %reduce_sum3A_223 = arith.constant dense<0.000000e+00> : vector<1024xf32>
    %reduce_sum3A_224 = vector.multi_reduction <add>, %select_n3A_222, %reduce_sum3A_223 [0] : vector<128x1024xf32> to vector<1024xf32>
    %broadcast_in_dim3A_225 = vector.shape_cast %reduce_sum3A_224 : vector<1024xf32> to vector<1x1024xf32>
    %add3A_226 = arith.addf %add3A_211, %broadcast_in_dim3A_225 : vector<1x1024xf32>
    %iota3A_227 = tpu.iota {dimensions = array<i32: 0>} : vector<128x1024xi32>
    %add3A_228 = arith.constant 640 : i32
    %add3A_229 = vector.broadcast %add3A_228 : i32 to vector<128x1024xi32>
    %add3A_230 = arith.addi %iota3A_227, %add3A_229 : vector<128x1024xi32>
    %eq3A_231 = arith.cmpi eq, %add3A_230, %iota3A_149 : vector<128x1024xi32>
    %slice3A_232 = vector.extract_strided_slice %add3A {offsets = [640, 0], sizes = [128, 1], strides = [1, 1]} : vector<1024x1xf32> to vector<128x1xf32>
    %jit3A_233 = arith.constant 0.000000e+00 : f32
    %broadcast_in_dim3A_234 = vector.shape_cast %slice3A_232 : vector<128x1xf32> to vector<128x1xf32>
    %broadcast_in_dim3A_235 = vector.broadcast %broadcast_in_dim3A_234 : vector<128x1xf32> to vector<128x1024xf32>
    %broadcast_in_dim3A_236 = vector.broadcast %jit3A_233 : f32 to vector<128x1024xf32>
    %select_n3A_237 = arith.select %eq3A_231, %broadcast_in_dim3A_235, %broadcast_in_dim3A_236 : vector<128x1024xi1>, vector<128x1024xf32>
    %reduce_sum3A_238 = arith.constant dense<0.000000e+00> : vector<1024xf32>
    %reduce_sum3A_239 = vector.multi_reduction <add>, %select_n3A_237, %reduce_sum3A_238 [0] : vector<128x1024xf32> to vector<1024xf32>
    %broadcast_in_dim3A_240 = vector.shape_cast %reduce_sum3A_239 : vector<1024xf32> to vector<1x1024xf32>
    %add3A_241 = arith.addf %add3A_226, %broadcast_in_dim3A_240 : vector<1x1024xf32>
    %iota3A_242 = tpu.iota {dimensions = array<i32: 0>} : vector<128x1024xi32>
    %add3A_243 = arith.constant 768 : i32
    %add3A_244 = vector.broadcast %add3A_243 : i32 to vector<128x1024xi32>
    %add3A_245 = arith.addi %iota3A_242, %add3A_244 : vector<128x1024xi32>
    %eq3A_246 = arith.cmpi eq, %add3A_245, %iota3A_149 : vector<128x1024xi32>
    %slice3A_247 = vector.extract_strided_slice %add3A {offsets = [768, 0], sizes = [128, 1], strides = [1, 1]} : vector<1024x1xf32> to vector<128x1xf32>
    %jit3A_248 = arith.constant 0.000000e+00 : f32
    %broadcast_in_dim3A_249 = vector.shape_cast %slice3A_247 : vector<128x1xf32> to vector<128x1xf32>
    %broadcast_in_dim3A_250 = vector.broadcast %broadcast_in_dim3A_249 : vector<128x1xf32> to vector<128x1024xf32>
    %broadcast_in_dim3A_251 = vector.broadcast %jit3A_248 : f32 to vector<128x1024xf32>
    %select_n3A_252 = arith.select %eq3A_246, %broadcast_in_dim3A_250, %broadcast_in_dim3A_251 : vector<128x1024xi1>, vector<128x1024xf32>
    %reduce_sum3A_253 = arith.constant dense<0.000000e+00> : vector<1024xf32>
    %reduce_sum3A_254 = vector.multi_reduction <add>, %select_n3A_252, %reduce_sum3A_253 [0] : vector<128x1024xf32> to vector<1024xf32>
    %broadcast_in_dim3A_255 = vector.shape_cast %reduce_sum3A_254 : vector<1024xf32> to vector<1x1024xf32>
    %add3A_256 = arith.addf %add3A_241, %broadcast_in_dim3A_255 : vector<1x1024xf32>
    %iota3A_257 = tpu.iota {dimensions = array<i32: 0>} : vector<128x1024xi32>
    %add3A_258 = arith.constant 896 : i32
    %add3A_259 = vector.broadcast %add3A_258 : i32 to vector<128x1024xi32>
    %add3A_260 = arith.addi %iota3A_257, %add3A_259 : vector<128x1024xi32>
    %eq3A_261 = arith.cmpi eq, %add3A_260, %iota3A_149 : vector<128x1024xi32>
    %slice3A_262 = vector.extract_strided_slice %add3A {offsets = [896, 0], sizes = [128, 1], strides = [1, 1]} : vector<1024x1xf32> to vector<128x1xf32>
    %jit3A_263 = arith.constant 0.000000e+00 : f32
    %broadcast_in_dim3A_264 = vector.shape_cast %slice3A_262 : vector<128x1xf32> to vector<128x1xf32>
    %broadcast_in_dim3A_265 = vector.broadcast %broadcast_in_dim3A_264 : vector<128x1xf32> to vector<128x1024xf32>
    %broadcast_in_dim3A_266 = vector.broadcast %jit3A_263 : f32 to vector<128x1024xf32>
    %select_n3A_267 = arith.select %eq3A_261, %broadcast_in_dim3A_265, %broadcast_in_dim3A_266 : vector<128x1024xi1>, vector<128x1024xf32>
    %reduce_sum3A_268 = arith.constant dense<0.000000e+00> : vector<1024xf32>
    %reduce_sum3A_269 = vector.multi_reduction <add>, %select_n3A_267, %reduce_sum3A_268 [0] : vector<128x1024xf32> to vector<1024xf32>
    %broadcast_in_dim3A_270 = vector.shape_cast %reduce_sum3A_269 : vector<1024xf32> to vector<1x1024xf32>
    %add3A_271 = arith.addf %add3A_256, %broadcast_in_dim3A_270 : vector<1x1024xf32>
    %iota3A_272 = tpu.iota {dimensions = array<i32: 1>} : vector<128x1024xi32>
    %broadcast_in_dim3A_273 = arith.constant 0.000000e+00 : f32
    %broadcast_in_dim3A_274 = vector.broadcast %broadcast_in_dim3A_273 : f32 to vector<1x1024xf32>
    %iota3A_275 = tpu.iota {dimensions = array<i32: 0>} : vector<128x1024xi32>
    %add3A_276 = arith.constant 0 : i32
    %add3A_277 = vector.broadcast %add3A_276 : i32 to vector<128x1024xi32>
    %add3A_278 = arith.addi %iota3A_275, %add3A_277 : vector<128x1024xi32>
    %eq3A_279 = arith.cmpi eq, %add3A_278, %iota3A_272 : vector<128x1024xi32>
    %slice3A_280 = vector.extract_strided_slice %sub3A_27 {offsets = [0, 0], sizes = [128, 1], strides = [1, 1]} : vector<1024x1xf32> to vector<128x1xf32>
    %jit3A_281 = arith.constant 0.000000e+00 : f32
    %broadcast_in_dim3A_282 = vector.shape_cast %slice3A_280 : vector<128x1xf32> to vector<128x1xf32>
    %broadcast_in_dim3A_283 = vector.broadcast %broadcast_in_dim3A_282 : vector<128x1xf32> to vector<128x1024xf32>
    %broadcast_in_dim3A_284 = vector.broadcast %jit3A_281 : f32 to vector<128x1024xf32>
    %select_n3A_285 = arith.select %eq3A_279, %broadcast_in_dim3A_283, %broadcast_in_dim3A_284 : vector<128x1024xi1>, vector<128x1024xf32>
    %reduce_sum3A_286 = arith.constant dense<0.000000e+00> : vector<1024xf32>
    %reduce_sum3A_287 = vector.multi_reduction <add>, %select_n3A_285, %reduce_sum3A_286 [0] : vector<128x1024xf32> to vector<1024xf32>
    %broadcast_in_dim3A_288 = vector.shape_cast %reduce_sum3A_287 : vector<1024xf32> to vector<1x1024xf32>
    %add3A_289 = arith.addf %broadcast_in_dim3A_274, %broadcast_in_dim3A_288 : vector<1x1024xf32>
    %iota3A_290 = tpu.iota {dimensions = array<i32: 0>} : vector<128x1024xi32>
    %add3A_291 = arith.constant 128 : i32
    %add3A_292 = vector.broadcast %add3A_291 : i32 to vector<128x1024xi32>
    %add3A_293 = arith.addi %iota3A_290, %add3A_292 : vector<128x1024xi32>
    %eq3A_294 = arith.cmpi eq, %add3A_293, %iota3A_272 : vector<128x1024xi32>
    %slice3A_295 = vector.extract_strided_slice %sub3A_27 {offsets = [128, 0], sizes = [128, 1], strides = [1, 1]} : vector<1024x1xf32> to vector<128x1xf32>
    %jit3A_296 = arith.constant 0.000000e+00 : f32
    %broadcast_in_dim3A_297 = vector.shape_cast %slice3A_295 : vector<128x1xf32> to vector<128x1xf32>
    %broadcast_in_dim3A_298 = vector.broadcast %broadcast_in_dim3A_297 : vector<128x1xf32> to vector<128x1024xf32>
    %broadcast_in_dim3A_299 = vector.broadcast %jit3A_296 : f32 to vector<128x1024xf32>
    %select_n3A_300 = arith.select %eq3A_294, %broadcast_in_dim3A_298, %broadcast_in_dim3A_299 : vector<128x1024xi1>, vector<128x1024xf32>
    %reduce_sum3A_301 = arith.constant dense<0.000000e+00> : vector<1024xf32>
    %reduce_sum3A_302 = vector.multi_reduction <add>, %select_n3A_300, %reduce_sum3A_301 [0] : vector<128x1024xf32> to vector<1024xf32>
    %broadcast_in_dim3A_303 = vector.shape_cast %reduce_sum3A_302 : vector<1024xf32> to vector<1x1024xf32>
    %add3A_304 = arith.addf %add3A_289, %broadcast_in_dim3A_303 : vector<1x1024xf32>
    %iota3A_305 = tpu.iota {dimensions = array<i32: 0>} : vector<128x1024xi32>
    %add3A_306 = arith.constant 256 : i32
    %add3A_307 = vector.broadcast %add3A_306 : i32 to vector<128x1024xi32>
    %add3A_308 = arith.addi %iota3A_305, %add3A_307 : vector<128x1024xi32>
    %eq3A_309 = arith.cmpi eq, %add3A_308, %iota3A_272 : vector<128x1024xi32>
    %slice3A_310 = vector.extract_strided_slice %sub3A_27 {offsets = [256, 0], sizes = [128, 1], strides = [1, 1]} : vector<1024x1xf32> to vector<128x1xf32>
    %jit3A_311 = arith.constant 0.000000e+00 : f32
    %broadcast_in_dim3A_312 = vector.shape_cast %slice3A_310 : vector<128x1xf32> to vector<128x1xf32>
    %broadcast_in_dim3A_313 = vector.broadcast %broadcast_in_dim3A_312 : vector<128x1xf32> to vector<128x1024xf32>
    %broadcast_in_dim3A_314 = vector.broadcast %jit3A_311 : f32 to vector<128x1024xf32>
    %select_n3A_315 = arith.select %eq3A_309, %broadcast_in_dim3A_313, %broadcast_in_dim3A_314 : vector<128x1024xi1>, vector<128x1024xf32>
    %reduce_sum3A_316 = arith.constant dense<0.000000e+00> : vector<1024xf32>
    %reduce_sum3A_317 = vector.multi_reduction <add>, %select_n3A_315, %reduce_sum3A_316 [0] : vector<128x1024xf32> to vector<1024xf32>
    %broadcast_in_dim3A_318 = vector.shape_cast %reduce_sum3A_317 : vector<1024xf32> to vector<1x1024xf32>
    %add3A_319 = arith.addf %add3A_304, %broadcast_in_dim3A_318 : vector<1x1024xf32>
    %iota3A_320 = tpu.iota {dimensions = array<i32: 0>} : vector<128x1024xi32>
    %add3A_321 = arith.constant 384 : i32
    %add3A_322 = vector.broadcast %add3A_321 : i32 to vector<128x1024xi32>
    %add3A_323 = arith.addi %iota3A_320, %add3A_322 : vector<128x1024xi32>
    %eq3A_324 = arith.cmpi eq, %add3A_323, %iota3A_272 : vector<128x1024xi32>
    %slice3A_325 = vector.extract_strided_slice %sub3A_27 {offsets = [384, 0], sizes = [128, 1], strides = [1, 1]} : vector<1024x1xf32> to vector<128x1xf32>
    %jit3A_326 = arith.constant 0.000000e+00 : f32
    %broadcast_in_dim3A_327 = vector.shape_cast %slice3A_325 : vector<128x1xf32> to vector<128x1xf32>
    %broadcast_in_dim3A_328 = vector.broadcast %broadcast_in_dim3A_327 : vector<128x1xf32> to vector<128x1024xf32>
    %broadcast_in_dim3A_329 = vector.broadcast %jit3A_326 : f32 to vector<128x1024xf32>
    %select_n3A_330 = arith.select %eq3A_324, %broadcast_in_dim3A_328, %broadcast_in_dim3A_329 : vector<128x1024xi1>, vector<128x1024xf32>
    %reduce_sum3A_331 = arith.constant dense<0.000000e+00> : vector<1024xf32>
    %reduce_sum3A_332 = vector.multi_reduction <add>, %select_n3A_330, %reduce_sum3A_331 [0] : vector<128x1024xf32> to vector<1024xf32>
    %broadcast_in_dim3A_333 = vector.shape_cast %reduce_sum3A_332 : vector<1024xf32> to vector<1x1024xf32>
    %add3A_334 = arith.addf %add3A_319, %broadcast_in_dim3A_333 : vector<1x1024xf32>
    %iota3A_335 = tpu.iota {dimensions = array<i32: 0>} : vector<128x1024xi32>
    %add3A_336 = arith.constant 512 : i32
    %add3A_337 = vector.broadcast %add3A_336 : i32 to vector<128x1024xi32>
    %add3A_338 = arith.addi %iota3A_335, %add3A_337 : vector<128x1024xi32>
    %eq3A_339 = arith.cmpi eq, %add3A_338, %iota3A_272 : vector<128x1024xi32>
    %slice3A_340 = vector.extract_strided_slice %sub3A_27 {offsets = [512, 0], sizes = [128, 1], strides = [1, 1]} : vector<1024x1xf32> to vector<128x1xf32>
    %jit3A_341 = arith.constant 0.000000e+00 : f32
    %broadcast_in_dim3A_342 = vector.shape_cast %slice3A_340 : vector<128x1xf32> to vector<128x1xf32>
    %broadcast_in_dim3A_343 = vector.broadcast %broadcast_in_dim3A_342 : vector<128x1xf32> to vector<128x1024xf32>
    %broadcast_in_dim3A_344 = vector.broadcast %jit3A_341 : f32 to vector<128x1024xf32>
    %select_n3A_345 = arith.select %eq3A_339, %broadcast_in_dim3A_343, %broadcast_in_dim3A_344 : vector<128x1024xi1>, vector<128x1024xf32>
    %reduce_sum3A_346 = arith.constant dense<0.000000e+00> : vector<1024xf32>
    %reduce_sum3A_347 = vector.multi_reduction <add>, %select_n3A_345, %reduce_sum3A_346 [0] : vector<128x1024xf32> to vector<1024xf32>
    %broadcast_in_dim3A_348 = vector.shape_cast %reduce_sum3A_347 : vector<1024xf32> to vector<1x1024xf32>
    %add3A_349 = arith.addf %add3A_334, %broadcast_in_dim3A_348 : vector<1x1024xf32>
    %iota3A_350 = tpu.iota {dimensions = array<i32: 0>} : vector<128x1024xi32>
    %add3A_351 = arith.constant 640 : i32
    %add3A_352 = vector.broadcast %add3A_351 : i32 to vector<128x1024xi32>
    %add3A_353 = arith.addi %iota3A_350, %add3A_352 : vector<128x1024xi32>
    %eq3A_354 = arith.cmpi eq, %add3A_353, %iota3A_272 : vector<128x1024xi32>
    %slice3A_355 = vector.extract_strided_slice %sub3A_27 {offsets = [640, 0], sizes = [128, 1], strides = [1, 1]} : vector<1024x1xf32> to vector<128x1xf32>
    %jit3A_356 = arith.constant 0.000000e+00 : f32
    %broadcast_in_dim3A_357 = vector.shape_cast %slice3A_355 : vector<128x1xf32> to vector<128x1xf32>
    %broadcast_in_dim3A_358 = vector.broadcast %broadcast_in_dim3A_357 : vector<128x1xf32> to vector<128x1024xf32>
    %broadcast_in_dim3A_359 = vector.broadcast %jit3A_356 : f32 to vector<128x1024xf32>
    %select_n3A_360 = arith.select %eq3A_354, %broadcast_in_dim3A_358, %broadcast_in_dim3A_359 : vector<128x1024xi1>, vector<128x1024xf32>
    %reduce_sum3A_361 = arith.constant dense<0.000000e+00> : vector<1024xf32>
    %reduce_sum3A_362 = vector.multi_reduction <add>, %select_n3A_360, %reduce_sum3A_361 [0] : vector<128x1024xf32> to vector<1024xf32>
    %broadcast_in_dim3A_363 = vector.shape_cast %reduce_sum3A_362 : vector<1024xf32> to vector<1x1024xf32>
    %add3A_364 = arith.addf %add3A_349, %broadcast_in_dim3A_363 : vector<1x1024xf32>
    %iota3A_365 = tpu.iota {dimensions = array<i32: 0>} : vector<128x1024xi32>
    %add3A_366 = arith.constant 768 : i32
    %add3A_367 = vector.broadcast %add3A_366 : i32 to vector<128x1024xi32>
    %add3A_368 = arith.addi %iota3A_365, %add3A_367 : vector<128x1024xi32>
    %eq3A_369 = arith.cmpi eq, %add3A_368, %iota3A_272 : vector<128x1024xi32>
    %slice3A_370 = vector.extract_strided_slice %sub3A_27 {offsets = [768, 0], sizes = [128, 1], strides = [1, 1]} : vector<1024x1xf32> to vector<128x1xf32>
    %jit3A_371 = arith.constant 0.000000e+00 : f32
    %broadcast_in_dim3A_372 = vector.shape_cast %slice3A_370 : vector<128x1xf32> to vector<128x1xf32>
    %broadcast_in_dim3A_373 = vector.broadcast %broadcast_in_dim3A_372 : vector<128x1xf32> to vector<128x1024xf32>
    %broadcast_in_dim3A_374 = vector.broadcast %jit3A_371 : f32 to vector<128x1024xf32>
    %select_n3A_375 = arith.select %eq3A_369, %broadcast_in_dim3A_373, %broadcast_in_dim3A_374 : vector<128x1024xi1>, vector<128x1024xf32>
    %reduce_sum3A_376 = arith.constant dense<0.000000e+00> : vector<1024xf32>
    %reduce_sum3A_377 = vector.multi_reduction <add>, %select_n3A_375, %reduce_sum3A_376 [0] : vector<128x1024xf32> to vector<1024xf32>
    %broadcast_in_dim3A_378 = vector.shape_cast %reduce_sum3A_377 : vector<1024xf32> to vector<1x1024xf32>
    %add3A_379 = arith.addf %add3A_364, %broadcast_in_dim3A_378 : vector<1x1024xf32>
    %iota3A_380 = tpu.iota {dimensions = array<i32: 0>} : vector<128x1024xi32>
    %add3A_381 = arith.constant 896 : i32
    %add3A_382 = vector.broadcast %add3A_381 : i32 to vector<128x1024xi32>
    %add3A_383 = arith.addi %iota3A_380, %add3A_382 : vector<128x1024xi32>
    %eq3A_384 = arith.cmpi eq, %add3A_383, %iota3A_272 : vector<128x1024xi32>
    %slice3A_385 = vector.extract_strided_slice %sub3A_27 {offsets = [896, 0], sizes = [128, 1], strides = [1, 1]} : vector<1024x1xf32> to vector<128x1xf32>
    %jit3A_386 = arith.constant 0.000000e+00 : f32
    %broadcast_in_dim3A_387 = vector.shape_cast %slice3A_385 : vector<128x1xf32> to vector<128x1xf32>
    %broadcast_in_dim3A_388 = vector.broadcast %broadcast_in_dim3A_387 : vector<128x1xf32> to vector<128x1024xf32>
    %broadcast_in_dim3A_389 = vector.broadcast %jit3A_386 : f32 to vector<128x1024xf32>
    %select_n3A_390 = arith.select %eq3A_384, %broadcast_in_dim3A_388, %broadcast_in_dim3A_389 : vector<128x1024xi1>, vector<128x1024xf32>
    %reduce_sum3A_391 = arith.constant dense<0.000000e+00> : vector<1024xf32>
    %reduce_sum3A_392 = vector.multi_reduction <add>, %select_n3A_390, %reduce_sum3A_391 [0] : vector<128x1024xf32> to vector<1024xf32>
    %broadcast_in_dim3A_393 = vector.shape_cast %reduce_sum3A_392 : vector<1024xf32> to vector<1x1024xf32>
    %add3A_394 = arith.addf %add3A_379, %broadcast_in_dim3A_393 : vector<1x1024xf32>
    %iota3A_395 = tpu.iota {dimensions = array<i32: 1>} : vector<128x1024xi32>
    %broadcast_in_dim3A_396 = arith.constant 0.000000e+00 : f32
    %broadcast_in_dim3A_397 = vector.broadcast %broadcast_in_dim3A_396 : f32 to vector<1x1024xf32>
    %iota3A_398 = tpu.iota {dimensions = array<i32: 0>} : vector<128x1024xi32>
    %add3A_399 = arith.constant 0 : i32
    %add3A_400 = vector.broadcast %add3A_399 : i32 to vector<128x1024xi32>
    %add3A_401 = arith.addi %iota3A_398, %add3A_400 : vector<128x1024xi32>
    %eq3A_402 = arith.cmpi eq, %add3A_401, %iota3A_395 : vector<128x1024xi32>
    %slice3A_403 = vector.extract_strided_slice %add3A_31 {offsets = [0, 0], sizes = [128, 1], strides = [1, 1]} : vector<1024x1xf32> to vector<128x1xf32>
    %jit3A_404 = arith.constant 0.000000e+00 : f32
    %broadcast_in_dim3A_405 = vector.shape_cast %slice3A_403 : vector<128x1xf32> to vector<128x1xf32>
    %broadcast_in_dim3A_406 = vector.broadcast %broadcast_in_dim3A_405 : vector<128x1xf32> to vector<128x1024xf32>
    %broadcast_in_dim3A_407 = vector.broadcast %jit3A_404 : f32 to vector<128x1024xf32>
    %select_n3A_408 = arith.select %eq3A_402, %broadcast_in_dim3A_406, %broadcast_in_dim3A_407 : vector<128x1024xi1>, vector<128x1024xf32>
    %reduce_sum3A_409 = arith.constant dense<0.000000e+00> : vector<1024xf32>
    %reduce_sum3A_410 = vector.multi_reduction <add>, %select_n3A_408, %reduce_sum3A_409 [0] : vector<128x1024xf32> to vector<1024xf32>
    %broadcast_in_dim3A_411 = vector.shape_cast %reduce_sum3A_410 : vector<1024xf32> to vector<1x1024xf32>
    %add3A_412 = arith.addf %broadcast_in_dim3A_397, %broadcast_in_dim3A_411 : vector<1x1024xf32>
    %iota3A_413 = tpu.iota {dimensions = array<i32: 0>} : vector<128x1024xi32>
    %add3A_414 = arith.constant 128 : i32
    %add3A_415 = vector.broadcast %add3A_414 : i32 to vector<128x1024xi32>
    %add3A_416 = arith.addi %iota3A_413, %add3A_415 : vector<128x1024xi32>
    %eq3A_417 = arith.cmpi eq, %add3A_416, %iota3A_395 : vector<128x1024xi32>
    %slice3A_418 = vector.extract_strided_slice %add3A_31 {offsets = [128, 0], sizes = [128, 1], strides = [1, 1]} : vector<1024x1xf32> to vector<128x1xf32>
    %jit3A_419 = arith.constant 0.000000e+00 : f32
    %broadcast_in_dim3A_420 = vector.shape_cast %slice3A_418 : vector<128x1xf32> to vector<128x1xf32>
    %broadcast_in_dim3A_421 = vector.broadcast %broadcast_in_dim3A_420 : vector<128x1xf32> to vector<128x1024xf32>
    %broadcast_in_dim3A_422 = vector.broadcast %jit3A_419 : f32 to vector<128x1024xf32>
    %select_n3A_423 = arith.select %eq3A_417, %broadcast_in_dim3A_421, %broadcast_in_dim3A_422 : vector<128x1024xi1>, vector<128x1024xf32>
    %reduce_sum3A_424 = arith.constant dense<0.000000e+00> : vector<1024xf32>
    %reduce_sum3A_425 = vector.multi_reduction <add>, %select_n3A_423, %reduce_sum3A_424 [0] : vector<128x1024xf32> to vector<1024xf32>
    %broadcast_in_dim3A_426 = vector.shape_cast %reduce_sum3A_425 : vector<1024xf32> to vector<1x1024xf32>
    %add3A_427 = arith.addf %add3A_412, %broadcast_in_dim3A_426 : vector<1x1024xf32>
    %iota3A_428 = tpu.iota {dimensions = array<i32: 0>} : vector<128x1024xi32>
    %add3A_429 = arith.constant 256 : i32
    %add3A_430 = vector.broadcast %add3A_429 : i32 to vector<128x1024xi32>
    %add3A_431 = arith.addi %iota3A_428, %add3A_430 : vector<128x1024xi32>
    %eq3A_432 = arith.cmpi eq, %add3A_431, %iota3A_395 : vector<128x1024xi32>
    %slice3A_433 = vector.extract_strided_slice %add3A_31 {offsets = [256, 0], sizes = [128, 1], strides = [1, 1]} : vector<1024x1xf32> to vector<128x1xf32>
    %jit3A_434 = arith.constant 0.000000e+00 : f32
    %broadcast_in_dim3A_435 = vector.shape_cast %slice3A_433 : vector<128x1xf32> to vector<128x1xf32>
    %broadcast_in_dim3A_436 = vector.broadcast %broadcast_in_dim3A_435 : vector<128x1xf32> to vector<128x1024xf32>
    %broadcast_in_dim3A_437 = vector.broadcast %jit3A_434 : f32 to vector<128x1024xf32>
    %select_n3A_438 = arith.select %eq3A_432, %broadcast_in_dim3A_436, %broadcast_in_dim3A_437 : vector<128x1024xi1>, vector<128x1024xf32>
    %reduce_sum3A_439 = arith.constant dense<0.000000e+00> : vector<1024xf32>
    %reduce_sum3A_440 = vector.multi_reduction <add>, %select_n3A_438, %reduce_sum3A_439 [0] : vector<128x1024xf32> to vector<1024xf32>
    %broadcast_in_dim3A_441 = vector.shape_cast %reduce_sum3A_440 : vector<1024xf32> to vector<1x1024xf32>
    %add3A_442 = arith.addf %add3A_427, %broadcast_in_dim3A_441 : vector<1x1024xf32>
    %iota3A_443 = tpu.iota {dimensions = array<i32: 0>} : vector<128x1024xi32>
    %add3A_444 = arith.constant 384 : i32
    %add3A_445 = vector.broadcast %add3A_444 : i32 to vector<128x1024xi32>
    %add3A_446 = arith.addi %iota3A_443, %add3A_445 : vector<128x1024xi32>
    %eq3A_447 = arith.cmpi eq, %add3A_446, %iota3A_395 : vector<128x1024xi32>
    %slice3A_448 = vector.extract_strided_slice %add3A_31 {offsets = [384, 0], sizes = [128, 1], strides = [1, 1]} : vector<1024x1xf32> to vector<128x1xf32>
    %jit3A_449 = arith.constant 0.000000e+00 : f32
    %broadcast_in_dim3A_450 = vector.shape_cast %slice3A_448 : vector<128x1xf32> to vector<128x1xf32>
    %broadcast_in_dim3A_451 = vector.broadcast %broadcast_in_dim3A_450 : vector<128x1xf32> to vector<128x1024xf32>
    %broadcast_in_dim3A_452 = vector.broadcast %jit3A_449 : f32 to vector<128x1024xf32>
    %select_n3A_453 = arith.select %eq3A_447, %broadcast_in_dim3A_451, %broadcast_in_dim3A_452 : vector<128x1024xi1>, vector<128x1024xf32>
    %reduce_sum3A_454 = arith.constant dense<0.000000e+00> : vector<1024xf32>
    %reduce_sum3A_455 = vector.multi_reduction <add>, %select_n3A_453, %reduce_sum3A_454 [0] : vector<128x1024xf32> to vector<1024xf32>
    %broadcast_in_dim3A_456 = vector.shape_cast %reduce_sum3A_455 : vector<1024xf32> to vector<1x1024xf32>
    %add3A_457 = arith.addf %add3A_442, %broadcast_in_dim3A_456 : vector<1x1024xf32>
    %iota3A_458 = tpu.iota {dimensions = array<i32: 0>} : vector<128x1024xi32>
    %add3A_459 = arith.constant 512 : i32
    %add3A_460 = vector.broadcast %add3A_459 : i32 to vector<128x1024xi32>
    %add3A_461 = arith.addi %iota3A_458, %add3A_460 : vector<128x1024xi32>
    %eq3A_462 = arith.cmpi eq, %add3A_461, %iota3A_395 : vector<128x1024xi32>
    %slice3A_463 = vector.extract_strided_slice %add3A_31 {offsets = [512, 0], sizes = [128, 1], strides = [1, 1]} : vector<1024x1xf32> to vector<128x1xf32>
    %jit3A_464 = arith.constant 0.000000e+00 : f32
    %broadcast_in_dim3A_465 = vector.shape_cast %slice3A_463 : vector<128x1xf32> to vector<128x1xf32>
    %broadcast_in_dim3A_466 = vector.broadcast %broadcast_in_dim3A_465 : vector<128x1xf32> to vector<128x1024xf32>
    %broadcast_in_dim3A_467 = vector.broadcast %jit3A_464 : f32 to vector<128x1024xf32>
    %select_n3A_468 = arith.select %eq3A_462, %broadcast_in_dim3A_466, %broadcast_in_dim3A_467 : vector<128x1024xi1>, vector<128x1024xf32>
    %reduce_sum3A_469 = arith.constant dense<0.000000e+00> : vector<1024xf32>
    %reduce_sum3A_470 = vector.multi_reduction <add>, %select_n3A_468, %reduce_sum3A_469 [0] : vector<128x1024xf32> to vector<1024xf32>
    %broadcast_in_dim3A_471 = vector.shape_cast %reduce_sum3A_470 : vector<1024xf32> to vector<1x1024xf32>
    %add3A_472 = arith.addf %add3A_457, %broadcast_in_dim3A_471 : vector<1x1024xf32>
    %iota3A_473 = tpu.iota {dimensions = array<i32: 0>} : vector<128x1024xi32>
    %add3A_474 = arith.constant 640 : i32
    %add3A_475 = vector.broadcast %add3A_474 : i32 to vector<128x1024xi32>
    %add3A_476 = arith.addi %iota3A_473, %add3A_475 : vector<128x1024xi32>
    %eq3A_477 = arith.cmpi eq, %add3A_476, %iota3A_395 : vector<128x1024xi32>
    %slice3A_478 = vector.extract_strided_slice %add3A_31 {offsets = [640, 0], sizes = [128, 1], strides = [1, 1]} : vector<1024x1xf32> to vector<128x1xf32>
    %jit3A_479 = arith.constant 0.000000e+00 : f32
    %broadcast_in_dim3A_480 = vector.shape_cast %slice3A_478 : vector<128x1xf32> to vector<128x1xf32>
    %broadcast_in_dim3A_481 = vector.broadcast %broadcast_in_dim3A_480 : vector<128x1xf32> to vector<128x1024xf32>
    %broadcast_in_dim3A_482 = vector.broadcast %jit3A_479 : f32 to vector<128x1024xf32>
    %select_n3A_483 = arith.select %eq3A_477, %broadcast_in_dim3A_481, %broadcast_in_dim3A_482 : vector<128x1024xi1>, vector<128x1024xf32>
    %reduce_sum3A_484 = arith.constant dense<0.000000e+00> : vector<1024xf32>
    %reduce_sum3A_485 = vector.multi_reduction <add>, %select_n3A_483, %reduce_sum3A_484 [0] : vector<128x1024xf32> to vector<1024xf32>
    %broadcast_in_dim3A_486 = vector.shape_cast %reduce_sum3A_485 : vector<1024xf32> to vector<1x1024xf32>
    %add3A_487 = arith.addf %add3A_472, %broadcast_in_dim3A_486 : vector<1x1024xf32>
    %iota3A_488 = tpu.iota {dimensions = array<i32: 0>} : vector<128x1024xi32>
    %add3A_489 = arith.constant 768 : i32
    %add3A_490 = vector.broadcast %add3A_489 : i32 to vector<128x1024xi32>
    %add3A_491 = arith.addi %iota3A_488, %add3A_490 : vector<128x1024xi32>
    %eq3A_492 = arith.cmpi eq, %add3A_491, %iota3A_395 : vector<128x1024xi32>
    %slice3A_493 = vector.extract_strided_slice %add3A_31 {offsets = [768, 0], sizes = [128, 1], strides = [1, 1]} : vector<1024x1xf32> to vector<128x1xf32>
    %jit3A_494 = arith.constant 0.000000e+00 : f32
    %broadcast_in_dim3A_495 = vector.shape_cast %slice3A_493 : vector<128x1xf32> to vector<128x1xf32>
    %broadcast_in_dim3A_496 = vector.broadcast %broadcast_in_dim3A_495 : vector<128x1xf32> to vector<128x1024xf32>
    %broadcast_in_dim3A_497 = vector.broadcast %jit3A_494 : f32 to vector<128x1024xf32>
    %select_n3A_498 = arith.select %eq3A_492, %broadcast_in_dim3A_496, %broadcast_in_dim3A_497 : vector<128x1024xi1>, vector<128x1024xf32>
    %reduce_sum3A_499 = arith.constant dense<0.000000e+00> : vector<1024xf32>
    %reduce_sum3A_500 = vector.multi_reduction <add>, %select_n3A_498, %reduce_sum3A_499 [0] : vector<128x1024xf32> to vector<1024xf32>
    %broadcast_in_dim3A_501 = vector.shape_cast %reduce_sum3A_500 : vector<1024xf32> to vector<1x1024xf32>
    %add3A_502 = arith.addf %add3A_487, %broadcast_in_dim3A_501 : vector<1x1024xf32>
    %iota3A_503 = tpu.iota {dimensions = array<i32: 0>} : vector<128x1024xi32>
    %add3A_504 = arith.constant 896 : i32
    %add3A_505 = vector.broadcast %add3A_504 : i32 to vector<128x1024xi32>
    %add3A_506 = arith.addi %iota3A_503, %add3A_505 : vector<128x1024xi32>
    %eq3A_507 = arith.cmpi eq, %add3A_506, %iota3A_395 : vector<128x1024xi32>
    %slice3A_508 = vector.extract_strided_slice %add3A_31 {offsets = [896, 0], sizes = [128, 1], strides = [1, 1]} : vector<1024x1xf32> to vector<128x1xf32>
    %jit3A_509 = arith.constant 0.000000e+00 : f32
    %broadcast_in_dim3A_510 = vector.shape_cast %slice3A_508 : vector<128x1xf32> to vector<128x1xf32>
    %broadcast_in_dim3A_511 = vector.broadcast %broadcast_in_dim3A_510 : vector<128x1xf32> to vector<128x1024xf32>
    %broadcast_in_dim3A_512 = vector.broadcast %jit3A_509 : f32 to vector<128x1024xf32>
    %select_n3A_513 = arith.select %eq3A_507, %broadcast_in_dim3A_511, %broadcast_in_dim3A_512 : vector<128x1024xi1>, vector<128x1024xf32>
    %reduce_sum3A_514 = arith.constant dense<0.000000e+00> : vector<1024xf32>
    %reduce_sum3A_515 = vector.multi_reduction <add>, %select_n3A_513, %reduce_sum3A_514 [0] : vector<128x1024xf32> to vector<1024xf32>
    %broadcast_in_dim3A_516 = vector.shape_cast %reduce_sum3A_515 : vector<1024xf32> to vector<1x1024xf32>
    %add3A_517 = arith.addf %add3A_502, %broadcast_in_dim3A_516 : vector<1x1024xf32>
    %iota3A_518 = tpu.iota {dimensions = array<i32: 1>} : vector<128x1024xi32>
    %broadcast_in_dim3A_519 = arith.constant 0.000000e+00 : f32
    %broadcast_in_dim3A_520 = vector.broadcast %broadcast_in_dim3A_519 : f32 to vector<1x1024xf32>
    %iota3A_521 = tpu.iota {dimensions = array<i32: 0>} : vector<128x1024xi32>
    %add3A_522 = arith.constant 0 : i32
    %add3A_523 = vector.broadcast %add3A_522 : i32 to vector<128x1024xi32>
    %add3A_524 = arith.addi %iota3A_521, %add3A_523 : vector<128x1024xi32>
    %eq3A_525 = arith.cmpi eq, %add3A_524, %iota3A_518 : vector<128x1024xi32>
    %slice3A_526 = vector.extract_strided_slice %mul3A_32 {offsets = [0, 0], sizes = [128, 1], strides = [1, 1]} : vector<1024x1xf32> to vector<128x1xf32>
    %jit3A_527 = arith.constant 0.000000e+00 : f32
    %broadcast_in_dim3A_528 = vector.shape_cast %slice3A_526 : vector<128x1xf32> to vector<128x1xf32>
    %broadcast_in_dim3A_529 = vector.broadcast %broadcast_in_dim3A_528 : vector<128x1xf32> to vector<128x1024xf32>
    %broadcast_in_dim3A_530 = vector.broadcast %jit3A_527 : f32 to vector<128x1024xf32>
    %select_n3A_531 = arith.select %eq3A_525, %broadcast_in_dim3A_529, %broadcast_in_dim3A_530 : vector<128x1024xi1>, vector<128x1024xf32>
    %reduce_sum3A_532 = arith.constant dense<0.000000e+00> : vector<1024xf32>
    %reduce_sum3A_533 = vector.multi_reduction <add>, %select_n3A_531, %reduce_sum3A_532 [0] : vector<128x1024xf32> to vector<1024xf32>
    %broadcast_in_dim3A_534 = vector.shape_cast %reduce_sum3A_533 : vector<1024xf32> to vector<1x1024xf32>
    %add3A_535 = arith.addf %broadcast_in_dim3A_520, %broadcast_in_dim3A_534 : vector<1x1024xf32>
    %iota3A_536 = tpu.iota {dimensions = array<i32: 0>} : vector<128x1024xi32>
    %add3A_537 = arith.constant 128 : i32
    %add3A_538 = vector.broadcast %add3A_537 : i32 to vector<128x1024xi32>
    %add3A_539 = arith.addi %iota3A_536, %add3A_538 : vector<128x1024xi32>
    %eq3A_540 = arith.cmpi eq, %add3A_539, %iota3A_518 : vector<128x1024xi32>
    %slice3A_541 = vector.extract_strided_slice %mul3A_32 {offsets = [128, 0], sizes = [128, 1], strides = [1, 1]} : vector<1024x1xf32> to vector<128x1xf32>
    %jit3A_542 = arith.constant 0.000000e+00 : f32
    %broadcast_in_dim3A_543 = vector.shape_cast %slice3A_541 : vector<128x1xf32> to vector<128x1xf32>
    %broadcast_in_dim3A_544 = vector.broadcast %broadcast_in_dim3A_543 : vector<128x1xf32> to vector<128x1024xf32>
    %broadcast_in_dim3A_545 = vector.broadcast %jit3A_542 : f32 to vector<128x1024xf32>
    %select_n3A_546 = arith.select %eq3A_540, %broadcast_in_dim3A_544, %broadcast_in_dim3A_545 : vector<128x1024xi1>, vector<128x1024xf32>
    %reduce_sum3A_547 = arith.constant dense<0.000000e+00> : vector<1024xf32>
    %reduce_sum3A_548 = vector.multi_reduction <add>, %select_n3A_546, %reduce_sum3A_547 [0] : vector<128x1024xf32> to vector<1024xf32>
    %broadcast_in_dim3A_549 = vector.shape_cast %reduce_sum3A_548 : vector<1024xf32> to vector<1x1024xf32>
    %add3A_550 = arith.addf %add3A_535, %broadcast_in_dim3A_549 : vector<1x1024xf32>
    %iota3A_551 = tpu.iota {dimensions = array<i32: 0>} : vector<128x1024xi32>
    %add3A_552 = arith.constant 256 : i32
    %add3A_553 = vector.broadcast %add3A_552 : i32 to vector<128x1024xi32>
    %add3A_554 = arith.addi %iota3A_551, %add3A_553 : vector<128x1024xi32>
    %eq3A_555 = arith.cmpi eq, %add3A_554, %iota3A_518 : vector<128x1024xi32>
    %slice3A_556 = vector.extract_strided_slice %mul3A_32 {offsets = [256, 0], sizes = [128, 1], strides = [1, 1]} : vector<1024x1xf32> to vector<128x1xf32>
    %jit3A_557 = arith.constant 0.000000e+00 : f32
    %broadcast_in_dim3A_558 = vector.shape_cast %slice3A_556 : vector<128x1xf32> to vector<128x1xf32>
    %broadcast_in_dim3A_559 = vector.broadcast %broadcast_in_dim3A_558 : vector<128x1xf32> to vector<128x1024xf32>
    %broadcast_in_dim3A_560 = vector.broadcast %jit3A_557 : f32 to vector<128x1024xf32>
    %select_n3A_561 = arith.select %eq3A_555, %broadcast_in_dim3A_559, %broadcast_in_dim3A_560 : vector<128x1024xi1>, vector<128x1024xf32>
    %reduce_sum3A_562 = arith.constant dense<0.000000e+00> : vector<1024xf32>
    %reduce_sum3A_563 = vector.multi_reduction <add>, %select_n3A_561, %reduce_sum3A_562 [0] : vector<128x1024xf32> to vector<1024xf32>
    %broadcast_in_dim3A_564 = vector.shape_cast %reduce_sum3A_563 : vector<1024xf32> to vector<1x1024xf32>
    %add3A_565 = arith.addf %add3A_550, %broadcast_in_dim3A_564 : vector<1x1024xf32>
    %iota3A_566 = tpu.iota {dimensions = array<i32: 0>} : vector<128x1024xi32>
    %add3A_567 = arith.constant 384 : i32
    %add3A_568 = vector.broadcast %add3A_567 : i32 to vector<128x1024xi32>
    %add3A_569 = arith.addi %iota3A_566, %add3A_568 : vector<128x1024xi32>
    %eq3A_570 = arith.cmpi eq, %add3A_569, %iota3A_518 : vector<128x1024xi32>
    %slice3A_571 = vector.extract_strided_slice %mul3A_32 {offsets = [384, 0], sizes = [128, 1], strides = [1, 1]} : vector<1024x1xf32> to vector<128x1xf32>
    %jit3A_572 = arith.constant 0.000000e+00 : f32
    %broadcast_in_dim3A_573 = vector.shape_cast %slice3A_571 : vector<128x1xf32> to vector<128x1xf32>
    %broadcast_in_dim3A_574 = vector.broadcast %broadcast_in_dim3A_573 : vector<128x1xf32> to vector<128x1024xf32>
    %broadcast_in_dim3A_575 = vector.broadcast %jit3A_572 : f32 to vector<128x1024xf32>
    %select_n3A_576 = arith.select %eq3A_570, %broadcast_in_dim3A_574, %broadcast_in_dim3A_575 : vector<128x1024xi1>, vector<128x1024xf32>
    %reduce_sum3A_577 = arith.constant dense<0.000000e+00> : vector<1024xf32>
    %reduce_sum3A_578 = vector.multi_reduction <add>, %select_n3A_576, %reduce_sum3A_577 [0] : vector<128x1024xf32> to vector<1024xf32>
    %broadcast_in_dim3A_579 = vector.shape_cast %reduce_sum3A_578 : vector<1024xf32> to vector<1x1024xf32>
    %add3A_580 = arith.addf %add3A_565, %broadcast_in_dim3A_579 : vector<1x1024xf32>
    %iota3A_581 = tpu.iota {dimensions = array<i32: 0>} : vector<128x1024xi32>
    %add3A_582 = arith.constant 512 : i32
    %add3A_583 = vector.broadcast %add3A_582 : i32 to vector<128x1024xi32>
    %add3A_584 = arith.addi %iota3A_581, %add3A_583 : vector<128x1024xi32>
    %eq3A_585 = arith.cmpi eq, %add3A_584, %iota3A_518 : vector<128x1024xi32>
    %slice3A_586 = vector.extract_strided_slice %mul3A_32 {offsets = [512, 0], sizes = [128, 1], strides = [1, 1]} : vector<1024x1xf32> to vector<128x1xf32>
    %jit3A_587 = arith.constant 0.000000e+00 : f32
    %broadcast_in_dim3A_588 = vector.shape_cast %slice3A_586 : vector<128x1xf32> to vector<128x1xf32>
    %broadcast_in_dim3A_589 = vector.broadcast %broadcast_in_dim3A_588 : vector<128x1xf32> to vector<128x1024xf32>
    %broadcast_in_dim3A_590 = vector.broadcast %jit3A_587 : f32 to vector<128x1024xf32>
    %select_n3A_591 = arith.select %eq3A_585, %broadcast_in_dim3A_589, %broadcast_in_dim3A_590 : vector<128x1024xi1>, vector<128x1024xf32>
    %reduce_sum3A_592 = arith.constant dense<0.000000e+00> : vector<1024xf32>
    %reduce_sum3A_593 = vector.multi_reduction <add>, %select_n3A_591, %reduce_sum3A_592 [0] : vector<128x1024xf32> to vector<1024xf32>
    %broadcast_in_dim3A_594 = vector.shape_cast %reduce_sum3A_593 : vector<1024xf32> to vector<1x1024xf32>
    %add3A_595 = arith.addf %add3A_580, %broadcast_in_dim3A_594 : vector<1x1024xf32>
    %iota3A_596 = tpu.iota {dimensions = array<i32: 0>} : vector<128x1024xi32>
    %add3A_597 = arith.constant 640 : i32
    %add3A_598 = vector.broadcast %add3A_597 : i32 to vector<128x1024xi32>
    %add3A_599 = arith.addi %iota3A_596, %add3A_598 : vector<128x1024xi32>
    %eq3A_600 = arith.cmpi eq, %add3A_599, %iota3A_518 : vector<128x1024xi32>
    %slice3A_601 = vector.extract_strided_slice %mul3A_32 {offsets = [640, 0], sizes = [128, 1], strides = [1, 1]} : vector<1024x1xf32> to vector<128x1xf32>
    %jit3A_602 = arith.constant 0.000000e+00 : f32
    %broadcast_in_dim3A_603 = vector.shape_cast %slice3A_601 : vector<128x1xf32> to vector<128x1xf32>
    %broadcast_in_dim3A_604 = vector.broadcast %broadcast_in_dim3A_603 : vector<128x1xf32> to vector<128x1024xf32>
    %broadcast_in_dim3A_605 = vector.broadcast %jit3A_602 : f32 to vector<128x1024xf32>
    %select_n3A_606 = arith.select %eq3A_600, %broadcast_in_dim3A_604, %broadcast_in_dim3A_605 : vector<128x1024xi1>, vector<128x1024xf32>
    %reduce_sum3A_607 = arith.constant dense<0.000000e+00> : vector<1024xf32>
    %reduce_sum3A_608 = vector.multi_reduction <add>, %select_n3A_606, %reduce_sum3A_607 [0] : vector<128x1024xf32> to vector<1024xf32>
    %broadcast_in_dim3A_609 = vector.shape_cast %reduce_sum3A_608 : vector<1024xf32> to vector<1x1024xf32>
    %add3A_610 = arith.addf %add3A_595, %broadcast_in_dim3A_609 : vector<1x1024xf32>
    %iota3A_611 = tpu.iota {dimensions = array<i32: 0>} : vector<128x1024xi32>
    %add3A_612 = arith.constant 768 : i32
    %add3A_613 = vector.broadcast %add3A_612 : i32 to vector<128x1024xi32>
    %add3A_614 = arith.addi %iota3A_611, %add3A_613 : vector<128x1024xi32>
    %eq3A_615 = arith.cmpi eq, %add3A_614, %iota3A_518 : vector<128x1024xi32>
    %slice3A_616 = vector.extract_strided_slice %mul3A_32 {offsets = [768, 0], sizes = [128, 1], strides = [1, 1]} : vector<1024x1xf32> to vector<128x1xf32>
    %jit3A_617 = arith.constant 0.000000e+00 : f32
    %broadcast_in_dim3A_618 = vector.shape_cast %slice3A_616 : vector<128x1xf32> to vector<128x1xf32>
    %broadcast_in_dim3A_619 = vector.broadcast %broadcast_in_dim3A_618 : vector<128x1xf32> to vector<128x1024xf32>
    %broadcast_in_dim3A_620 = vector.broadcast %jit3A_617 : f32 to vector<128x1024xf32>
    %select_n3A_621 = arith.select %eq3A_615, %broadcast_in_dim3A_619, %broadcast_in_dim3A_620 : vector<128x1024xi1>, vector<128x1024xf32>
    %reduce_sum3A_622 = arith.constant dense<0.000000e+00> : vector<1024xf32>
    %reduce_sum3A_623 = vector.multi_reduction <add>, %select_n3A_621, %reduce_sum3A_622 [0] : vector<128x1024xf32> to vector<1024xf32>
    %broadcast_in_dim3A_624 = vector.shape_cast %reduce_sum3A_623 : vector<1024xf32> to vector<1x1024xf32>
    %add3A_625 = arith.addf %add3A_610, %broadcast_in_dim3A_624 : vector<1x1024xf32>
    %iota3A_626 = tpu.iota {dimensions = array<i32: 0>} : vector<128x1024xi32>
    %add3A_627 = arith.constant 896 : i32
    %add3A_628 = vector.broadcast %add3A_627 : i32 to vector<128x1024xi32>
    %add3A_629 = arith.addi %iota3A_626, %add3A_628 : vector<128x1024xi32>
    %eq3A_630 = arith.cmpi eq, %add3A_629, %iota3A_518 : vector<128x1024xi32>
    %slice3A_631 = vector.extract_strided_slice %mul3A_32 {offsets = [896, 0], sizes = [128, 1], strides = [1, 1]} : vector<1024x1xf32> to vector<128x1xf32>
    %jit3A_632 = arith.constant 0.000000e+00 : f32
    %broadcast_in_dim3A_633 = vector.shape_cast %slice3A_631 : vector<128x1xf32> to vector<128x1xf32>
    %broadcast_in_dim3A_634 = vector.broadcast %broadcast_in_dim3A_633 : vector<128x1xf32> to vector<128x1024xf32>
    %broadcast_in_dim3A_635 = vector.broadcast %jit3A_632 : f32 to vector<128x1024xf32>
    %select_n3A_636 = arith.select %eq3A_630, %broadcast_in_dim3A_634, %broadcast_in_dim3A_635 : vector<128x1024xi1>, vector<128x1024xf32>
    %reduce_sum3A_637 = arith.constant dense<0.000000e+00> : vector<1024xf32>
    %reduce_sum3A_638 = vector.multi_reduction <add>, %select_n3A_636, %reduce_sum3A_637 [0] : vector<128x1024xf32> to vector<1024xf32>
    %broadcast_in_dim3A_639 = vector.shape_cast %reduce_sum3A_638 : vector<1024xf32> to vector<1x1024xf32>
    %add3A_640 = arith.addf %add3A_625, %broadcast_in_dim3A_639 : vector<1x1024xf32>
    %iota3A_641 = tpu.iota {dimensions = array<i32: 1>} : vector<128x1024xi32>
    %iota3A_642 = tpu.iota {dimensions = array<i32: 0>} : vector<128x1024xi32>
    %add3A_643 = arith.constant 0 : i32
    %add3A_644 = vector.broadcast %add3A_643 : i32 to vector<128x1024xi32>
    %add3A_645 = arith.addi %iota3A_642, %add3A_644 : vector<128x1024xi32>
    %slice3A_646 = vector.extract_strided_slice %sub3A {offsets = [0, 0], sizes = [128, 1], strides = [1, 1]} : vector<1024x1xf32> to vector<128x1xf32>
    %max3A = vector.broadcast %slice3A_646 : vector<128x1xf32> to vector<128x1024xf32>
    %max3A_647 = vector.broadcast %add3A_148 : vector<1x1024xf32> to vector<128x1024xf32>
    %max3A_648 = arith.maximumf %max3A, %max3A_647 : vector<128x1024xf32>
    %slice3A_649 = vector.extract_strided_slice %add3A {offsets = [0, 0], sizes = [128, 1], strides = [1, 1]} : vector<1024x1xf32> to vector<128x1xf32>
    %min3A = vector.broadcast %slice3A_649 : vector<128x1xf32> to vector<128x1024xf32>
    %min3A_650 = vector.broadcast %add3A_271 : vector<1x1024xf32> to vector<128x1024xf32>
    %min3A_651 = arith.minimumf %min3A, %min3A_650 : vector<128x1024xf32>
    %slice3A_652 = vector.extract_strided_slice %sub3A_27 {offsets = [0, 0], sizes = [128, 1], strides = [1, 1]} : vector<1024x1xf32> to vector<128x1xf32>
    %max3A_653 = vector.broadcast %slice3A_652 : vector<128x1xf32> to vector<128x1024xf32>
    %max3A_654 = vector.broadcast %add3A_394 : vector<1x1024xf32> to vector<128x1024xf32>
    %max3A_655 = arith.maximumf %max3A_653, %max3A_654 : vector<128x1024xf32>
    %slice3A_656 = vector.extract_strided_slice %add3A_31 {offsets = [0, 0], sizes = [128, 1], strides = [1, 1]} : vector<1024x1xf32> to vector<128x1xf32>
    %min3A_657 = vector.broadcast %slice3A_656 : vector<128x1xf32> to vector<128x1024xf32>
    %min3A_658 = vector.broadcast %add3A_517 : vector<1x1024xf32> to vector<128x1024xf32>
    %min3A_659 = arith.minimumf %min3A_657, %min3A_658 : vector<128x1024xf32>
    %sub3A_660 = arith.subf %min3A_651, %max3A_648 : vector<128x1024xf32>
    %max3A_661 = arith.constant 0.000000e+00 : f32
    %max3A_662 = vector.broadcast %max3A_661 : f32 to vector<128x1024xf32>
    %max3A_663 = arith.maximumf %sub3A_660, %max3A_662 : vector<128x1024xf32>
    %sub3A_664 = arith.subf %min3A_659, %max3A_655 : vector<128x1024xf32>
    %max3A_665 = arith.constant 0.000000e+00 : f32
    %max3A_666 = vector.broadcast %max3A_665 : f32 to vector<128x1024xf32>
    %max3A_667 = arith.maximumf %sub3A_664, %max3A_666 : vector<128x1024xf32>
    %mul3A_668 = arith.mulf %max3A_663, %max3A_667 : vector<128x1024xf32>
    %slice3A_669 = vector.extract_strided_slice %mul3A_32 {offsets = [0, 0], sizes = [128, 1], strides = [1, 1]} : vector<1024x1xf32> to vector<128x1xf32>
    %add3A_670 = vector.broadcast %slice3A_669 : vector<128x1xf32> to vector<128x1024xf32>
    %add3A_671 = vector.broadcast %add3A_640 : vector<1x1024xf32> to vector<128x1024xf32>
    %add3A_672 = arith.addf %add3A_670, %add3A_671 : vector<128x1024xf32>
    %sub3A_673 = arith.subf %add3A_672, %mul3A_668 : vector<128x1024xf32>
    %max3A_674 = arith.constant 9.99999997E-7 : f32
    %max3A_675 = vector.broadcast %max3A_674 : f32 to vector<128x1024xf32>
    %max3A_676 = arith.maximumf %sub3A_673, %max3A_675 : vector<128x1024xf32>
    %div3A = arith.divf %mul3A_668, %max3A_676 : vector<128x1024xf32>
    %gt3A = arith.constant 5.000000e-01 : f32
    %gt3A_677 = vector.broadcast %gt3A : f32 to vector<128x1024xf32>
    %gt3A_678 = arith.cmpf ogt, %div3A, %gt3A_677 : vector<128x1024xf32>
    %gt3A_679 = arith.cmpi sgt, %iota3A_641, %add3A_645 : vector<128x1024xi32>
    %and3A = arith.andi %gt3A_678, %gt3A_679 : vector<128x1024xi1>
    %jit3A_680 = arith.constant 1.000000e+00 : f32
    %jit3A_681 = arith.constant 0.000000e+00 : f32
    %broadcast_in_dim3A_682 = vector.broadcast %jit3A_680 : f32 to vector<128x1024xf32>
    %broadcast_in_dim3A_683 = vector.broadcast %jit3A_681 : f32 to vector<128x1024xf32>
    %select_n3A_684 = arith.select %and3A, %broadcast_in_dim3A_682, %broadcast_in_dim3A_683 : vector<128x1024xi1>, vector<128x1024xf32>
    %swap3A = arith.constant 0 : index
    %swap3A_685 = arith.constant 0 : index
    %swap3A_686 = vector.load %arg6[%swap3A, %swap3A_685] : memref<1024x1024xf32, #tpu.memory_space<vmem>>, vector<128x1024xf32>
    tpu.vector_store %arg6[%swap3A, %swap3A_685], %select_n3A_684 {strides = array<i32>} : memref<1024x1024xf32, #tpu.memory_space<vmem>>, vector<128x1024xf32>,
    %iota3A_687 = tpu.iota {dimensions = array<i32: 0>} : vector<128x1024xi32>
    %add3A_688 = arith.constant 128 : i32
    %add3A_689 = vector.broadcast %add3A_688 : i32 to vector<128x1024xi32>
    %add3A_690 = arith.addi %iota3A_687, %add3A_689 : vector<128x1024xi32>
    %slice3A_691 = vector.extract_strided_slice %sub3A {offsets = [128, 0], sizes = [128, 1], strides = [1, 1]} : vector<1024x1xf32> to vector<128x1xf32>
    %max3A_692 = vector.broadcast %slice3A_691 : vector<128x1xf32> to vector<128x1024xf32>
    %max3A_693 = vector.broadcast %add3A_148 : vector<1x1024xf32> to vector<128x1024xf32>
    %max3A_694 = arith.maximumf %max3A_692, %max3A_693 : vector<128x1024xf32>
    %slice3A_695 = vector.extract_strided_slice %add3A {offsets = [128, 0], sizes = [128, 1], strides = [1, 1]} : vector<1024x1xf32> to vector<128x1xf32>
    %min3A_696 = vector.broadcast %slice3A_695 : vector<128x1xf32> to vector<128x1024xf32>
    %min3A_697 = vector.broadcast %add3A_271 : vector<1x1024xf32> to vector<128x1024xf32>
    %min3A_698 = arith.minimumf %min3A_696, %min3A_697 : vector<128x1024xf32>
    %slice3A_699 = vector.extract_strided_slice %sub3A_27 {offsets = [128, 0], sizes = [128, 1], strides = [1, 1]} : vector<1024x1xf32> to vector<128x1xf32>
    %max3A_700 = vector.broadcast %slice3A_699 : vector<128x1xf32> to vector<128x1024xf32>
    %max3A_701 = vector.broadcast %add3A_394 : vector<1x1024xf32> to vector<128x1024xf32>
    %max3A_702 = arith.maximumf %max3A_700, %max3A_701 : vector<128x1024xf32>
    %slice3A_703 = vector.extract_strided_slice %add3A_31 {offsets = [128, 0], sizes = [128, 1], strides = [1, 1]} : vector<1024x1xf32> to vector<128x1xf32>
    %min3A_704 = vector.broadcast %slice3A_703 : vector<128x1xf32> to vector<128x1024xf32>
    %min3A_705 = vector.broadcast %add3A_517 : vector<1x1024xf32> to vector<128x1024xf32>
    %min3A_706 = arith.minimumf %min3A_704, %min3A_705 : vector<128x1024xf32>
    %sub3A_707 = arith.subf %min3A_698, %max3A_694 : vector<128x1024xf32>
    %max3A_708 = arith.constant 0.000000e+00 : f32
    %max3A_709 = vector.broadcast %max3A_708 : f32 to vector<128x1024xf32>
    %max3A_710 = arith.maximumf %sub3A_707, %max3A_709 : vector<128x1024xf32>
    %sub3A_711 = arith.subf %min3A_706, %max3A_702 : vector<128x1024xf32>
    %max3A_712 = arith.constant 0.000000e+00 : f32
    %max3A_713 = vector.broadcast %max3A_712 : f32 to vector<128x1024xf32>
    %max3A_714 = arith.maximumf %sub3A_711, %max3A_713 : vector<128x1024xf32>
    %mul3A_715 = arith.mulf %max3A_710, %max3A_714 : vector<128x1024xf32>
    %slice3A_716 = vector.extract_strided_slice %mul3A_32 {offsets = [128, 0], sizes = [128, 1], strides = [1, 1]} : vector<1024x1xf32> to vector<128x1xf32>
    %add3A_717 = vector.broadcast %slice3A_716 : vector<128x1xf32> to vector<128x1024xf32>
    %add3A_718 = vector.broadcast %add3A_640 : vector<1x1024xf32> to vector<128x1024xf32>
    %add3A_719 = arith.addf %add3A_717, %add3A_718 : vector<128x1024xf32>
    %sub3A_720 = arith.subf %add3A_719, %mul3A_715 : vector<128x1024xf32>
    %max3A_721 = arith.constant 9.99999997E-7 : f32
    %max3A_722 = vector.broadcast %max3A_721 : f32 to vector<128x1024xf32>
    %max3A_723 = arith.maximumf %sub3A_720, %max3A_722 : vector<128x1024xf32>
    %div3A_724 = arith.divf %mul3A_715, %max3A_723 : vector<128x1024xf32>
    %gt3A_725 = arith.constant 5.000000e-01 : f32
    %gt3A_726 = vector.broadcast %gt3A_725 : f32 to vector<128x1024xf32>
    %gt3A_727 = arith.cmpf ogt, %div3A_724, %gt3A_726 : vector<128x1024xf32>
    %gt3A_728 = arith.cmpi sgt, %iota3A_641, %add3A_690 : vector<128x1024xi32>
    %and3A_729 = arith.andi %gt3A_727, %gt3A_728 : vector<128x1024xi1>
    %jit3A_730 = arith.constant 1.000000e+00 : f32
    %jit3A_731 = arith.constant 0.000000e+00 : f32
    %broadcast_in_dim3A_732 = vector.broadcast %jit3A_730 : f32 to vector<128x1024xf32>
    %broadcast_in_dim3A_733 = vector.broadcast %jit3A_731 : f32 to vector<128x1024xf32>
    %select_n3A_734 = arith.select %and3A_729, %broadcast_in_dim3A_732, %broadcast_in_dim3A_733 : vector<128x1024xi1>, vector<128x1024xf32>
    %swap3A_735 = arith.constant 128 : index
    %swap3A_736 = arith.constant 0 : index
    %swap3A_737 = vector.load %arg6[%swap3A_735, %swap3A_736] : memref<1024x1024xf32, #tpu.memory_space<vmem>>, vector<128x1024xf32>
    tpu.vector_store %arg6[%swap3A_735, %swap3A_736], %select_n3A_734 {strides = array<i32>} : memref<1024x1024xf32, #tpu.memory_space<vmem>>, vector<128x1024xf32>,
    %iota3A_738 = tpu.iota {dimensions = array<i32: 0>} : vector<128x1024xi32>
    %add3A_739 = arith.constant 256 : i32
    %add3A_740 = vector.broadcast %add3A_739 : i32 to vector<128x1024xi32>
    %add3A_741 = arith.addi %iota3A_738, %add3A_740 : vector<128x1024xi32>
    %slice3A_742 = vector.extract_strided_slice %sub3A {offsets = [256, 0], sizes = [128, 1], strides = [1, 1]} : vector<1024x1xf32> to vector<128x1xf32>
    %max3A_743 = vector.broadcast %slice3A_742 : vector<128x1xf32> to vector<128x1024xf32>
    %max3A_744 = vector.broadcast %add3A_148 : vector<1x1024xf32> to vector<128x1024xf32>
    %max3A_745 = arith.maximumf %max3A_743, %max3A_744 : vector<128x1024xf32>
    %slice3A_746 = vector.extract_strided_slice %add3A {offsets = [256, 0], sizes = [128, 1], strides = [1, 1]} : vector<1024x1xf32> to vector<128x1xf32>
    %min3A_747 = vector.broadcast %slice3A_746 : vector<128x1xf32> to vector<128x1024xf32>
    %min3A_748 = vector.broadcast %add3A_271 : vector<1x1024xf32> to vector<128x1024xf32>
    %min3A_749 = arith.minimumf %min3A_747, %min3A_748 : vector<128x1024xf32>
    %slice3A_750 = vector.extract_strided_slice %sub3A_27 {offsets = [256, 0], sizes = [128, 1], strides = [1, 1]} : vector<1024x1xf32> to vector<128x1xf32>
    %max3A_751 = vector.broadcast %slice3A_750 : vector<128x1xf32> to vector<128x1024xf32>
    %max3A_752 = vector.broadcast %add3A_394 : vector<1x1024xf32> to vector<128x1024xf32>
    %max3A_753 = arith.maximumf %max3A_751, %max3A_752 : vector<128x1024xf32>
    %slice3A_754 = vector.extract_strided_slice %add3A_31 {offsets = [256, 0], sizes = [128, 1], strides = [1, 1]} : vector<1024x1xf32> to vector<128x1xf32>
    %min3A_755 = vector.broadcast %slice3A_754 : vector<128x1xf32> to vector<128x1024xf32>
    %min3A_756 = vector.broadcast %add3A_517 : vector<1x1024xf32> to vector<128x1024xf32>
    %min3A_757 = arith.minimumf %min3A_755, %min3A_756 : vector<128x1024xf32>
    %sub3A_758 = arith.subf %min3A_749, %max3A_745 : vector<128x1024xf32>
    %max3A_759 = arith.constant 0.000000e+00 : f32
    %max3A_760 = vector.broadcast %max3A_759 : f32 to vector<128x1024xf32>
    %max3A_761 = arith.maximumf %sub3A_758, %max3A_760 : vector<128x1024xf32>
    %sub3A_762 = arith.subf %min3A_757, %max3A_753 : vector<128x1024xf32>
    %max3A_763 = arith.constant 0.000000e+00 : f32
    %max3A_764 = vector.broadcast %max3A_763 : f32 to vector<128x1024xf32>
    %max3A_765 = arith.maximumf %sub3A_762, %max3A_764 : vector<128x1024xf32>
    %mul3A_766 = arith.mulf %max3A_761, %max3A_765 : vector<128x1024xf32>
    %slice3A_767 = vector.extract_strided_slice %mul3A_32 {offsets = [256, 0], sizes = [128, 1], strides = [1, 1]} : vector<1024x1xf32> to vector<128x1xf32>
    %add3A_768 = vector.broadcast %slice3A_767 : vector<128x1xf32> to vector<128x1024xf32>
    %add3A_769 = vector.broadcast %add3A_640 : vector<1x1024xf32> to vector<128x1024xf32>
    %add3A_770 = arith.addf %add3A_768, %add3A_769 : vector<128x1024xf32>
    %sub3A_771 = arith.subf %add3A_770, %mul3A_766 : vector<128x1024xf32>
    %max3A_772 = arith.constant 9.99999997E-7 : f32
    %max3A_773 = vector.broadcast %max3A_772 : f32 to vector<128x1024xf32>
    %max3A_774 = arith.maximumf %sub3A_771, %max3A_773 : vector<128x1024xf32>
    %div3A_775 = arith.divf %mul3A_766, %max3A_774 : vector<128x1024xf32>
    %gt3A_776 = arith.constant 5.000000e-01 : f32
    %gt3A_777 = vector.broadcast %gt3A_776 : f32 to vector<128x1024xf32>
    %gt3A_778 = arith.cmpf ogt, %div3A_775, %gt3A_777 : vector<128x1024xf32>
    %gt3A_779 = arith.cmpi sgt, %iota3A_641, %add3A_741 : vector<128x1024xi32>
    %and3A_780 = arith.andi %gt3A_778, %gt3A_779 : vector<128x1024xi1>
    %jit3A_781 = arith.constant 1.000000e+00 : f32
    %jit3A_782 = arith.constant 0.000000e+00 : f32
    %broadcast_in_dim3A_783 = vector.broadcast %jit3A_781 : f32 to vector<128x1024xf32>
    %broadcast_in_dim3A_784 = vector.broadcast %jit3A_782 : f32 to vector<128x1024xf32>
    %select_n3A_785 = arith.select %and3A_780, %broadcast_in_dim3A_783, %broadcast_in_dim3A_784 : vector<128x1024xi1>, vector<128x1024xf32>
    %swap3A_786 = arith.constant 256 : index
    %swap3A_787 = arith.constant 0 : index
    %swap3A_788 = vector.load %arg6[%swap3A_786, %swap3A_787] : memref<1024x1024xf32, #tpu.memory_space<vmem>>, vector<128x1024xf32>
    tpu.vector_store %arg6[%swap3A_786, %swap3A_787], %select_n3A_785 {strides = array<i32>} : memref<1024x1024xf32, #tpu.memory_space<vmem>>, vector<128x1024xf32>,
    %iota3A_789 = tpu.iota {dimensions = array<i32: 0>} : vector<128x1024xi32>
    %add3A_790 = arith.constant 384 : i32
    %add3A_791 = vector.broadcast %add3A_790 : i32 to vector<128x1024xi32>
    %add3A_792 = arith.addi %iota3A_789, %add3A_791 : vector<128x1024xi32>
    %slice3A_793 = vector.extract_strided_slice %sub3A {offsets = [384, 0], sizes = [128, 1], strides = [1, 1]} : vector<1024x1xf32> to vector<128x1xf32>
    %max3A_794 = vector.broadcast %slice3A_793 : vector<128x1xf32> to vector<128x1024xf32>
    %max3A_795 = vector.broadcast %add3A_148 : vector<1x1024xf32> to vector<128x1024xf32>
    %max3A_796 = arith.maximumf %max3A_794, %max3A_795 : vector<128x1024xf32>
    %slice3A_797 = vector.extract_strided_slice %add3A {offsets = [384, 0], sizes = [128, 1], strides = [1, 1]} : vector<1024x1xf32> to vector<128x1xf32>
    %min3A_798 = vector.broadcast %slice3A_797 : vector<128x1xf32> to vector<128x1024xf32>
    %min3A_799 = vector.broadcast %add3A_271 : vector<1x1024xf32> to vector<128x1024xf32>
    %min3A_800 = arith.minimumf %min3A_798, %min3A_799 : vector<128x1024xf32>
    %slice3A_801 = vector.extract_strided_slice %sub3A_27 {offsets = [384, 0], sizes = [128, 1], strides = [1, 1]} : vector<1024x1xf32> to vector<128x1xf32>
    %max3A_802 = vector.broadcast %slice3A_801 : vector<128x1xf32> to vector<128x1024xf32>
    %max3A_803 = vector.broadcast %add3A_394 : vector<1x1024xf32> to vector<128x1024xf32>
    %max3A_804 = arith.maximumf %max3A_802, %max3A_803 : vector<128x1024xf32>
    %slice3A_805 = vector.extract_strided_slice %add3A_31 {offsets = [384, 0], sizes = [128, 1], strides = [1, 1]} : vector<1024x1xf32> to vector<128x1xf32>
    %min3A_806 = vector.broadcast %slice3A_805 : vector<128x1xf32> to vector<128x1024xf32>
    %min3A_807 = vector.broadcast %add3A_517 : vector<1x1024xf32> to vector<128x1024xf32>
    %min3A_808 = arith.minimumf %min3A_806, %min3A_807 : vector<128x1024xf32>
    %sub3A_809 = arith.subf %min3A_800, %max3A_796 : vector<128x1024xf32>
    %max3A_810 = arith.constant 0.000000e+00 : f32
    %max3A_811 = vector.broadcast %max3A_810 : f32 to vector<128x1024xf32>
    %max3A_812 = arith.maximumf %sub3A_809, %max3A_811 : vector<128x1024xf32>
    %sub3A_813 = arith.subf %min3A_808, %max3A_804 : vector<128x1024xf32>
    %max3A_814 = arith.constant 0.000000e+00 : f32
    %max3A_815 = vector.broadcast %max3A_814 : f32 to vector<128x1024xf32>
    %max3A_816 = arith.maximumf %sub3A_813, %max3A_815 : vector<128x1024xf32>
    %mul3A_817 = arith.mulf %max3A_812, %max3A_816 : vector<128x1024xf32>
    %slice3A_818 = vector.extract_strided_slice %mul3A_32 {offsets = [384, 0], sizes = [128, 1], strides = [1, 1]} : vector<1024x1xf32> to vector<128x1xf32>
    %add3A_819 = vector.broadcast %slice3A_818 : vector<128x1xf32> to vector<128x1024xf32>
    %add3A_820 = vector.broadcast %add3A_640 : vector<1x1024xf32> to vector<128x1024xf32>
    %add3A_821 = arith.addf %add3A_819, %add3A_820 : vector<128x1024xf32>
    %sub3A_822 = arith.subf %add3A_821, %mul3A_817 : vector<128x1024xf32>
    %max3A_823 = arith.constant 9.99999997E-7 : f32
    %max3A_824 = vector.broadcast %max3A_823 : f32 to vector<128x1024xf32>
    %max3A_825 = arith.maximumf %sub3A_822, %max3A_824 : vector<128x1024xf32>
    %div3A_826 = arith.divf %mul3A_817, %max3A_825 : vector<128x1024xf32>
    %gt3A_827 = arith.constant 5.000000e-01 : f32
    %gt3A_828 = vector.broadcast %gt3A_827 : f32 to vector<128x1024xf32>
    %gt3A_829 = arith.cmpf ogt, %div3A_826, %gt3A_828 : vector<128x1024xf32>
    %gt3A_830 = arith.cmpi sgt, %iota3A_641, %add3A_792 : vector<128x1024xi32>
    %and3A_831 = arith.andi %gt3A_829, %gt3A_830 : vector<128x1024xi1>
    %jit3A_832 = arith.constant 1.000000e+00 : f32
    %jit3A_833 = arith.constant 0.000000e+00 : f32
    %broadcast_in_dim3A_834 = vector.broadcast %jit3A_832 : f32 to vector<128x1024xf32>
    %broadcast_in_dim3A_835 = vector.broadcast %jit3A_833 : f32 to vector<128x1024xf32>
    %select_n3A_836 = arith.select %and3A_831, %broadcast_in_dim3A_834, %broadcast_in_dim3A_835 : vector<128x1024xi1>, vector<128x1024xf32>
    %swap3A_837 = arith.constant 384 : index
    %swap3A_838 = arith.constant 0 : index
    %swap3A_839 = vector.load %arg6[%swap3A_837, %swap3A_838] : memref<1024x1024xf32, #tpu.memory_space<vmem>>, vector<128x1024xf32>
    tpu.vector_store %arg6[%swap3A_837, %swap3A_838], %select_n3A_836 {strides = array<i32>} : memref<1024x1024xf32, #tpu.memory_space<vmem>>, vector<128x1024xf32>,
    %iota3A_840 = tpu.iota {dimensions = array<i32: 0>} : vector<128x1024xi32>
    %add3A_841 = arith.constant 512 : i32
    %add3A_842 = vector.broadcast %add3A_841 : i32 to vector<128x1024xi32>
    %add3A_843 = arith.addi %iota3A_840, %add3A_842 : vector<128x1024xi32>
    %slice3A_844 = vector.extract_strided_slice %sub3A {offsets = [512, 0], sizes = [128, 1], strides = [1, 1]} : vector<1024x1xf32> to vector<128x1xf32>
    %max3A_845 = vector.broadcast %slice3A_844 : vector<128x1xf32> to vector<128x1024xf32>
    %max3A_846 = vector.broadcast %add3A_148 : vector<1x1024xf32> to vector<128x1024xf32>
    %max3A_847 = arith.maximumf %max3A_845, %max3A_846 : vector<128x1024xf32>
    %slice3A_848 = vector.extract_strided_slice %add3A {offsets = [512, 0], sizes = [128, 1], strides = [1, 1]} : vector<1024x1xf32> to vector<128x1xf32>
    %min3A_849 = vector.broadcast %slice3A_848 : vector<128x1xf32> to vector<128x1024xf32>
    %min3A_850 = vector.broadcast %add3A_271 : vector<1x1024xf32> to vector<128x1024xf32>
    %min3A_851 = arith.minimumf %min3A_849, %min3A_850 : vector<128x1024xf32>
    %slice3A_852 = vector.extract_strided_slice %sub3A_27 {offsets = [512, 0], sizes = [128, 1], strides = [1, 1]} : vector<1024x1xf32> to vector<128x1xf32>
    %max3A_853 = vector.broadcast %slice3A_852 : vector<128x1xf32> to vector<128x1024xf32>
    %max3A_854 = vector.broadcast %add3A_394 : vector<1x1024xf32> to vector<128x1024xf32>
    %max3A_855 = arith.maximumf %max3A_853, %max3A_854 : vector<128x1024xf32>
    %slice3A_856 = vector.extract_strided_slice %add3A_31 {offsets = [512, 0], sizes = [128, 1], strides = [1, 1]} : vector<1024x1xf32> to vector<128x1xf32>
    %min3A_857 = vector.broadcast %slice3A_856 : vector<128x1xf32> to vector<128x1024xf32>
    %min3A_858 = vector.broadcast %add3A_517 : vector<1x1024xf32> to vector<128x1024xf32>
    %min3A_859 = arith.minimumf %min3A_857, %min3A_858 : vector<128x1024xf32>
    %sub3A_860 = arith.subf %min3A_851, %max3A_847 : vector<128x1024xf32>
    %max3A_861 = arith.constant 0.000000e+00 : f32
    %max3A_862 = vector.broadcast %max3A_861 : f32 to vector<128x1024xf32>
    %max3A_863 = arith.maximumf %sub3A_860, %max3A_862 : vector<128x1024xf32>
    %sub3A_864 = arith.subf %min3A_859, %max3A_855 : vector<128x1024xf32>
    %max3A_865 = arith.constant 0.000000e+00 : f32
    %max3A_866 = vector.broadcast %max3A_865 : f32 to vector<128x1024xf32>
    %max3A_867 = arith.maximumf %sub3A_864, %max3A_866 : vector<128x1024xf32>
    %mul3A_868 = arith.mulf %max3A_863, %max3A_867 : vector<128x1024xf32>
    %slice3A_869 = vector.extract_strided_slice %mul3A_32 {offsets = [512, 0], sizes = [128, 1], strides = [1, 1]} : vector<1024x1xf32> to vector<128x1xf32>
    %add3A_870 = vector.broadcast %slice3A_869 : vector<128x1xf32> to vector<128x1024xf32>
    %add3A_871 = vector.broadcast %add3A_640 : vector<1x1024xf32> to vector<128x1024xf32>
    %add3A_872 = arith.addf %add3A_870, %add3A_871 : vector<128x1024xf32>
    %sub3A_873 = arith.subf %add3A_872, %mul3A_868 : vector<128x1024xf32>
    %max3A_874 = arith.constant 9.99999997E-7 : f32
    %max3A_875 = vector.broadcast %max3A_874 : f32 to vector<128x1024xf32>
    %max3A_876 = arith.maximumf %sub3A_873, %max3A_875 : vector<128x1024xf32>
    %div3A_877 = arith.divf %mul3A_868, %max3A_876 : vector<128x1024xf32>
    %gt3A_878 = arith.constant 5.000000e-01 : f32
    %gt3A_879 = vector.broadcast %gt3A_878 : f32 to vector<128x1024xf32>
    %gt3A_880 = arith.cmpf ogt, %div3A_877, %gt3A_879 : vector<128x1024xf32>
    %gt3A_881 = arith.cmpi sgt, %iota3A_641, %add3A_843 : vector<128x1024xi32>
    %and3A_882 = arith.andi %gt3A_880, %gt3A_881 : vector<128x1024xi1>
    %jit3A_883 = arith.constant 1.000000e+00 : f32
    %jit3A_884 = arith.constant 0.000000e+00 : f32
    %broadcast_in_dim3A_885 = vector.broadcast %jit3A_883 : f32 to vector<128x1024xf32>
    %broadcast_in_dim3A_886 = vector.broadcast %jit3A_884 : f32 to vector<128x1024xf32>
    %select_n3A_887 = arith.select %and3A_882, %broadcast_in_dim3A_885, %broadcast_in_dim3A_886 : vector<128x1024xi1>, vector<128x1024xf32>
    %swap3A_888 = arith.constant 512 : index
    %swap3A_889 = arith.constant 0 : index
    %swap3A_890 = vector.load %arg6[%swap3A_888, %swap3A_889] : memref<1024x1024xf32, #tpu.memory_space<vmem>>, vector<128x1024xf32>
    tpu.vector_store %arg6[%swap3A_888, %swap3A_889], %select_n3A_887 {strides = array<i32>} : memref<1024x1024xf32, #tpu.memory_space<vmem>>, vector<128x1024xf32>,
    %iota3A_891 = tpu.iota {dimensions = array<i32: 0>} : vector<128x1024xi32>
    %add3A_892 = arith.constant 640 : i32
    %add3A_893 = vector.broadcast %add3A_892 : i32 to vector<128x1024xi32>
    %add3A_894 = arith.addi %iota3A_891, %add3A_893 : vector<128x1024xi32>
    %slice3A_895 = vector.extract_strided_slice %sub3A {offsets = [640, 0], sizes = [128, 1], strides = [1, 1]} : vector<1024x1xf32> to vector<128x1xf32>
    %max3A_896 = vector.broadcast %slice3A_895 : vector<128x1xf32> to vector<128x1024xf32>
    %max3A_897 = vector.broadcast %add3A_148 : vector<1x1024xf32> to vector<128x1024xf32>
    %max3A_898 = arith.maximumf %max3A_896, %max3A_897 : vector<128x1024xf32>
    %slice3A_899 = vector.extract_strided_slice %add3A {offsets = [640, 0], sizes = [128, 1], strides = [1, 1]} : vector<1024x1xf32> to vector<128x1xf32>
    %min3A_900 = vector.broadcast %slice3A_899 : vector<128x1xf32> to vector<128x1024xf32>
    %min3A_901 = vector.broadcast %add3A_271 : vector<1x1024xf32> to vector<128x1024xf32>
    %min3A_902 = arith.minimumf %min3A_900, %min3A_901 : vector<128x1024xf32>
    %slice3A_903 = vector.extract_strided_slice %sub3A_27 {offsets = [640, 0], sizes = [128, 1], strides = [1, 1]} : vector<1024x1xf32> to vector<128x1xf32>
    %max3A_904 = vector.broadcast %slice3A_903 : vector<128x1xf32> to vector<128x1024xf32>
    %max3A_905 = vector.broadcast %add3A_394 : vector<1x1024xf32> to vector<128x1024xf32>
    %max3A_906 = arith.maximumf %max3A_904, %max3A_905 : vector<128x1024xf32>
    %slice3A_907 = vector.extract_strided_slice %add3A_31 {offsets = [640, 0], sizes = [128, 1], strides = [1, 1]} : vector<1024x1xf32> to vector<128x1xf32>
    %min3A_908 = vector.broadcast %slice3A_907 : vector<128x1xf32> to vector<128x1024xf32>
    %min3A_909 = vector.broadcast %add3A_517 : vector<1x1024xf32> to vector<128x1024xf32>
    %min3A_910 = arith.minimumf %min3A_908, %min3A_909 : vector<128x1024xf32>
    %sub3A_911 = arith.subf %min3A_902, %max3A_898 : vector<128x1024xf32>
    %max3A_912 = arith.constant 0.000000e+00 : f32
    %max3A_913 = vector.broadcast %max3A_912 : f32 to vector<128x1024xf32>
    %max3A_914 = arith.maximumf %sub3A_911, %max3A_913 : vector<128x1024xf32>
    %sub3A_915 = arith.subf %min3A_910, %max3A_906 : vector<128x1024xf32>
    %max3A_916 = arith.constant 0.000000e+00 : f32
    %max3A_917 = vector.broadcast %max3A_916 : f32 to vector<128x1024xf32>
    %max3A_918 = arith.maximumf %sub3A_915, %max3A_917 : vector<128x1024xf32>
    %mul3A_919 = arith.mulf %max3A_914, %max3A_918 : vector<128x1024xf32>
    %slice3A_920 = vector.extract_strided_slice %mul3A_32 {offsets = [640, 0], sizes = [128, 1], strides = [1, 1]} : vector<1024x1xf32> to vector<128x1xf32>
    %add3A_921 = vector.broadcast %slice3A_920 : vector<128x1xf32> to vector<128x1024xf32>
    %add3A_922 = vector.broadcast %add3A_640 : vector<1x1024xf32> to vector<128x1024xf32>
    %add3A_923 = arith.addf %add3A_921, %add3A_922 : vector<128x1024xf32>
    %sub3A_924 = arith.subf %add3A_923, %mul3A_919 : vector<128x1024xf32>
    %max3A_925 = arith.constant 9.99999997E-7 : f32
    %max3A_926 = vector.broadcast %max3A_925 : f32 to vector<128x1024xf32>
    %max3A_927 = arith.maximumf %sub3A_924, %max3A_926 : vector<128x1024xf32>
    %div3A_928 = arith.divf %mul3A_919, %max3A_927 : vector<128x1024xf32>
    %gt3A_929 = arith.constant 5.000000e-01 : f32
    %gt3A_930 = vector.broadcast %gt3A_929 : f32 to vector<128x1024xf32>
    %gt3A_931 = arith.cmpf ogt, %div3A_928, %gt3A_930 : vector<128x1024xf32>
    %gt3A_932 = arith.cmpi sgt, %iota3A_641, %add3A_894 : vector<128x1024xi32>
    %and3A_933 = arith.andi %gt3A_931, %gt3A_932 : vector<128x1024xi1>
    %jit3A_934 = arith.constant 1.000000e+00 : f32
    %jit3A_935 = arith.constant 0.000000e+00 : f32
    %broadcast_in_dim3A_936 = vector.broadcast %jit3A_934 : f32 to vector<128x1024xf32>
    %broadcast_in_dim3A_937 = vector.broadcast %jit3A_935 : f32 to vector<128x1024xf32>
    %select_n3A_938 = arith.select %and3A_933, %broadcast_in_dim3A_936, %broadcast_in_dim3A_937 : vector<128x1024xi1>, vector<128x1024xf32>
    %swap3A_939 = arith.constant 640 : index
    %swap3A_940 = arith.constant 0 : index
    %swap3A_941 = vector.load %arg6[%swap3A_939, %swap3A_940] : memref<1024x1024xf32, #tpu.memory_space<vmem>>, vector<128x1024xf32>
    tpu.vector_store %arg6[%swap3A_939, %swap3A_940], %select_n3A_938 {strides = array<i32>} : memref<1024x1024xf32, #tpu.memory_space<vmem>>, vector<128x1024xf32>,
    %iota3A_942 = tpu.iota {dimensions = array<i32: 0>} : vector<128x1024xi32>
    %add3A_943 = arith.constant 768 : i32
    %add3A_944 = vector.broadcast %add3A_943 : i32 to vector<128x1024xi32>
    %add3A_945 = arith.addi %iota3A_942, %add3A_944 : vector<128x1024xi32>
    %slice3A_946 = vector.extract_strided_slice %sub3A {offsets = [768, 0], sizes = [128, 1], strides = [1, 1]} : vector<1024x1xf32> to vector<128x1xf32>
    %max3A_947 = vector.broadcast %slice3A_946 : vector<128x1xf32> to vector<128x1024xf32>
    %max3A_948 = vector.broadcast %add3A_148 : vector<1x1024xf32> to vector<128x1024xf32>
    %max3A_949 = arith.maximumf %max3A_947, %max3A_948 : vector<128x1024xf32>
    %slice3A_950 = vector.extract_strided_slice %add3A {offsets = [768, 0], sizes = [128, 1], strides = [1, 1]} : vector<1024x1xf32> to vector<128x1xf32>
    %min3A_951 = vector.broadcast %slice3A_950 : vector<128x1xf32> to vector<128x1024xf32>
    %min3A_952 = vector.broadcast %add3A_271 : vector<1x1024xf32> to vector<128x1024xf32>
    %min3A_953 = arith.minimumf %min3A_951, %min3A_952 : vector<128x1024xf32>
    %slice3A_954 = vector.extract_strided_slice %sub3A_27 {offsets = [768, 0], sizes = [128, 1], strides = [1, 1]} : vector<1024x1xf32> to vector<128x1xf32>
    %max3A_955 = vector.broadcast %slice3A_954 : vector<128x1xf32> to vector<128x1024xf32>
    %max3A_956 = vector.broadcast %add3A_394 : vector<1x1024xf32> to vector<128x1024xf32>
    %max3A_957 = arith.maximumf %max3A_955, %max3A_956 : vector<128x1024xf32>
    %slice3A_958 = vector.extract_strided_slice %add3A_31 {offsets = [768, 0], sizes = [128, 1], strides = [1, 1]} : vector<1024x1xf32> to vector<128x1xf32>
    %min3A_959 = vector.broadcast %slice3A_958 : vector<128x1xf32> to vector<128x1024xf32>
    %min3A_960 = vector.broadcast %add3A_517 : vector<1x1024xf32> to vector<128x1024xf32>
    %min3A_961 = arith.minimumf %min3A_959, %min3A_960 : vector<128x1024xf32>
    %sub3A_962 = arith.subf %min3A_953, %max3A_949 : vector<128x1024xf32>
    %max3A_963 = arith.constant 0.000000e+00 : f32
    %max3A_964 = vector.broadcast %max3A_963 : f32 to vector<128x1024xf32>
    %max3A_965 = arith.maximumf %sub3A_962, %max3A_964 : vector<128x1024xf32>
    %sub3A_966 = arith.subf %min3A_961, %max3A_957 : vector<128x1024xf32>
    %max3A_967 = arith.constant 0.000000e+00 : f32
    %max3A_968 = vector.broadcast %max3A_967 : f32 to vector<128x1024xf32>
    %max3A_969 = arith.maximumf %sub3A_966, %max3A_968 : vector<128x1024xf32>
    %mul3A_970 = arith.mulf %max3A_965, %max3A_969 : vector<128x1024xf32>
    %slice3A_971 = vector.extract_strided_slice %mul3A_32 {offsets = [768, 0], sizes = [128, 1], strides = [1, 1]} : vector<1024x1xf32> to vector<128x1xf32>
    %add3A_972 = vector.broadcast %slice3A_971 : vector<128x1xf32> to vector<128x1024xf32>
    %add3A_973 = vector.broadcast %add3A_640 : vector<1x1024xf32> to vector<128x1024xf32>
    %add3A_974 = arith.addf %add3A_972, %add3A_973 : vector<128x1024xf32>
    %sub3A_975 = arith.subf %add3A_974, %mul3A_970 : vector<128x1024xf32>
    %max3A_976 = arith.constant 9.99999997E-7 : f32
    %max3A_977 = vector.broadcast %max3A_976 : f32 to vector<128x1024xf32>
    %max3A_978 = arith.maximumf %sub3A_975, %max3A_977 : vector<128x1024xf32>
    %div3A_979 = arith.divf %mul3A_970, %max3A_978 : vector<128x1024xf32>
    %gt3A_980 = arith.constant 5.000000e-01 : f32
    %gt3A_981 = vector.broadcast %gt3A_980 : f32 to vector<128x1024xf32>
    %gt3A_982 = arith.cmpf ogt, %div3A_979, %gt3A_981 : vector<128x1024xf32>
    %gt3A_983 = arith.cmpi sgt, %iota3A_641, %add3A_945 : vector<128x1024xi32>
    %and3A_984 = arith.andi %gt3A_982, %gt3A_983 : vector<128x1024xi1>
    %jit3A_985 = arith.constant 1.000000e+00 : f32
    %jit3A_986 = arith.constant 0.000000e+00 : f32
    %broadcast_in_dim3A_987 = vector.broadcast %jit3A_985 : f32 to vector<128x1024xf32>
    %broadcast_in_dim3A_988 = vector.broadcast %jit3A_986 : f32 to vector<128x1024xf32>
    %select_n3A_989 = arith.select %and3A_984, %broadcast_in_dim3A_987, %broadcast_in_dim3A_988 : vector<128x1024xi1>, vector<128x1024xf32>
    %swap3A_990 = arith.constant 768 : index
    %swap3A_991 = arith.constant 0 : index
    %swap3A_992 = vector.load %arg6[%swap3A_990, %swap3A_991] : memref<1024x1024xf32, #tpu.memory_space<vmem>>, vector<128x1024xf32>
    tpu.vector_store %arg6[%swap3A_990, %swap3A_991], %select_n3A_989 {strides = array<i32>} : memref<1024x1024xf32, #tpu.memory_space<vmem>>, vector<128x1024xf32>,
    %iota3A_993 = tpu.iota {dimensions = array<i32: 0>} : vector<128x1024xi32>
    %add3A_994 = arith.constant 896 : i32
    %add3A_995 = vector.broadcast %add3A_994 : i32 to vector<128x1024xi32>
    %add3A_996 = arith.addi %iota3A_993, %add3A_995 : vector<128x1024xi32>
    %slice3A_997 = vector.extract_strided_slice %sub3A {offsets = [896, 0], sizes = [128, 1], strides = [1, 1]} : vector<1024x1xf32> to vector<128x1xf32>
    %max3A_998 = vector.broadcast %slice3A_997 : vector<128x1xf32> to vector<128x1024xf32>
    %max3A_999 = vector.broadcast %add3A_148 : vector<1x1024xf32> to vector<128x1024xf32>
    %max3A_1000 = arith.maximumf %max3A_998, %max3A_999 : vector<128x1024xf32>
    %slice3A_1001 = vector.extract_strided_slice %add3A {offsets = [896, 0], sizes = [128, 1], strides = [1, 1]} : vector<1024x1xf32> to vector<128x1xf32>
    %min3A_1002 = vector.broadcast %slice3A_1001 : vector<128x1xf32> to vector<128x1024xf32>
    %min3A_1003 = vector.broadcast %add3A_271 : vector<1x1024xf32> to vector<128x1024xf32>
    %min3A_1004 = arith.minimumf %min3A_1002, %min3A_1003 : vector<128x1024xf32>
    %slice3A_1005 = vector.extract_strided_slice %sub3A_27 {offsets = [896, 0], sizes = [128, 1], strides = [1, 1]} : vector<1024x1xf32> to vector<128x1xf32>
    %max3A_1006 = vector.broadcast %slice3A_1005 : vector<128x1xf32> to vector<128x1024xf32>
    %max3A_1007 = vector.broadcast %add3A_394 : vector<1x1024xf32> to vector<128x1024xf32>
    %max3A_1008 = arith.maximumf %max3A_1006, %max3A_1007 : vector<128x1024xf32>
    %slice3A_1009 = vector.extract_strided_slice %add3A_31 {offsets = [896, 0], sizes = [128, 1], strides = [1, 1]} : vector<1024x1xf32> to vector<128x1xf32>
    %min3A_1010 = vector.broadcast %slice3A_1009 : vector<128x1xf32> to vector<128x1024xf32>
    %min3A_1011 = vector.broadcast %add3A_517 : vector<1x1024xf32> to vector<128x1024xf32>
    %min3A_1012 = arith.minimumf %min3A_1010, %min3A_1011 : vector<128x1024xf32>
    %sub3A_1013 = arith.subf %min3A_1004, %max3A_1000 : vector<128x1024xf32>
    %max3A_1014 = arith.constant 0.000000e+00 : f32
    %max3A_1015 = vector.broadcast %max3A_1014 : f32 to vector<128x1024xf32>
    %max3A_1016 = arith.maximumf %sub3A_1013, %max3A_1015 : vector<128x1024xf32>
    %sub3A_1017 = arith.subf %min3A_1012, %max3A_1008 : vector<128x1024xf32>
    %max3A_1018 = arith.constant 0.000000e+00 : f32
    %max3A_1019 = vector.broadcast %max3A_1018 : f32 to vector<128x1024xf32>
    %max3A_1020 = arith.maximumf %sub3A_1017, %max3A_1019 : vector<128x1024xf32>
    %mul3A_1021 = arith.mulf %max3A_1016, %max3A_1020 : vector<128x1024xf32>
    %slice3A_1022 = vector.extract_strided_slice %mul3A_32 {offsets = [896, 0], sizes = [128, 1], strides = [1, 1]} : vector<1024x1xf32> to vector<128x1xf32>
    %add3A_1023 = vector.broadcast %slice3A_1022 : vector<128x1xf32> to vector<128x1024xf32>
    %add3A_1024 = vector.broadcast %add3A_640 : vector<1x1024xf32> to vector<128x1024xf32>
    %add3A_1025 = arith.addf %add3A_1023, %add3A_1024 : vector<128x1024xf32>
    %sub3A_1026 = arith.subf %add3A_1025, %mul3A_1021 : vector<128x1024xf32>
    %max3A_1027 = arith.constant 9.99999997E-7 : f32
    %max3A_1028 = vector.broadcast %max3A_1027 : f32 to vector<128x1024xf32>
    %max3A_1029 = arith.maximumf %sub3A_1026, %max3A_1028 : vector<128x1024xf32>
    %div3A_1030 = arith.divf %mul3A_1021, %max3A_1029 : vector<128x1024xf32>
    %gt3A_1031 = arith.constant 5.000000e-01 : f32
    %gt3A_1032 = vector.broadcast %gt3A_1031 : f32 to vector<128x1024xf32>
    %gt3A_1033 = arith.cmpf ogt, %div3A_1030, %gt3A_1032 : vector<128x1024xf32>
    %gt3A_1034 = arith.cmpi sgt, %iota3A_641, %add3A_996 : vector<128x1024xi32>
    %and3A_1035 = arith.andi %gt3A_1033, %gt3A_1034 : vector<128x1024xi1>
    %jit3A_1036 = arith.constant 1.000000e+00 : f32
    %jit3A_1037 = arith.constant 0.000000e+00 : f32
    %broadcast_in_dim3A_1038 = vector.broadcast %jit3A_1036 : f32 to vector<128x1024xf32>
    %broadcast_in_dim3A_1039 = vector.broadcast %jit3A_1037 : f32 to vector<128x1024xf32>
    %select_n3A_1040 = arith.select %and3A_1035, %broadcast_in_dim3A_1038, %broadcast_in_dim3A_1039 : vector<128x1024xi1>, vector<128x1024xf32>
    %swap3A_1041 = arith.constant 896 : index
    %swap3A_1042 = arith.constant 0 : index
    %swap3A_1043 = vector.load %arg6[%swap3A_1041, %swap3A_1042] : memref<1024x1024xf32, #tpu.memory_space<vmem>>, vector<128x1024xf32>
    tpu.vector_store %arg6[%swap3A_1041, %swap3A_1042], %select_n3A_1040 {strides = array<i32>} : memref<1024x1024xf32, #tpu.memory_space<vmem>>, vector<128x1024xf32>,
    %iota3A_1044 = tpu.iota {dimensions = array<i32: 1>} : vector<1x1024xi32>
    %broadcast_in_dim3A_1045 = arith.constant 1.000000e+00 : f32
    %broadcast_in_dim3A_1046 = vector.broadcast %broadcast_in_dim3A_1045 : f32 to vector<1x1024xf32>
    %scan3A = arith.constant 0 : i32
    %scan3A_1047 = arith.constant 1024 : i32
    %scan3A_1048 = arith.addi %scan3A, %scan3A_1047 : i32
    %scan3A_1049 = arith.constant 1 : i32
    %scan3A_1050 = scf.for %scan3A_1398 = %scan3A to %scan3A_1048 step %scan3A_1049 iter_args(%scan3A_1399 = %broadcast_in_dim3A_1046) -> (vector<1x1024xf32>)  : i32 {
      %get3A_1400 = arith.index_cast %scan3A_1398 : i32 to index
      %get3A_1401 = arith.constant 0 : index
      %get3A_1402 = vector.load %arg6[%get3A_1400, %get3A_1401] : memref<1024x1024xf32, #tpu.memory_space<vmem>>, vector<1x1024xf32>
      %eq3A_1403 = vector.broadcast %scan3A_1398 : i32 to vector<1x1024xi32>
      %eq3A_1404 = arith.cmpi eq, %iota3A_1044, %eq3A_1403 : vector<1x1024xi32>
      %jit3A_1405 = arith.constant 0.000000e+00 : f32
      %broadcast_in_dim3A_1406 = vector.broadcast %jit3A_1405 : f32 to vector<1x1024xf32>
      %select_n3A_1407 = arith.select %eq3A_1404, %scan3A_1399, %broadcast_in_dim3A_1406 : vector<1x1024xi1>, vector<1x1024xf32>
      %reduce_max3A = vector.shape_cast %select_n3A_1407 : vector<1x1024xf32> to vector<1x1x1024xf32>
      %reduce_max3A_1408 = arith.constant dense<0xFF800000> : vector<1xf32>
      %reduce_max3A_1409 = vector.multi_reduction <maximumf>, %reduce_max3A, %reduce_max3A_1408 [1, 2] : vector<1x1x1024xf32> to vector<1xf32>
      %reduce_max3A_1410 = vector.shape_cast %reduce_max3A_1409 : vector<1xf32> to vector<1x1x1xf32>
      %reduce_max3A_1411 = vector.extract %reduce_max3A_1410[0, 0, 0] : f32 from vector<1x1x1xf32>
      %mul3A_1412 = vector.broadcast %reduce_max3A_1411 : f32 to vector<1x1024xf32>
      %mul3A_1413 = arith.mulf %get3A_1402, %mul3A_1412 : vector<1x1024xf32>
      %sub3A_1414 = arith.constant 1.000000e+00 : f32
      %sub3A_1415 = vector.broadcast %sub3A_1414 : f32 to vector<1x1024xf32>
      %sub3A_1416 = arith.subf %sub3A_1415, %mul3A_1413 : vector<1x1024xf32>
      %mul3A_1417 = arith.mulf %scan3A_1399, %sub3A_1416 : vector<1x1024xf32>
      scf.yield %mul3A_1417 : vector<1x1024xf32>
    }
    %scan3A_1051 = arith.constant 1024 : i32
    %get3A_1052 = arith.constant 0 : index
    %get3A_1053 = arith.constant 0 : index
    %get3A_1054 = arith.constant 0 : index
    %get3A_1055 = vector.load %arg2[%get3A_1052, %get3A_1053, %get3A_1054] : memref<1x1x1024xf32, #tpu.memory_space<vmem>>, vector<1x1x1024xf32>
    %get3A_1056 = vector.shape_cast %get3A_1055 : vector<1x1x1024xf32> to vector<1x1024xf32>
    %gt3A_1057 = arith.constant 5.000000e-01 : f32
    %gt3A_1058 = vector.broadcast %gt3A_1057 : f32 to vector<1x1024xf32>
    %gt3A_1059 = arith.cmpf ogt, %scan3A_1050, %gt3A_1058 : vector<1x1024xf32>
    %gt3A_1060 = arith.constant 0.000000e+00 : f32
    %gt3A_1061 = vector.broadcast %gt3A_1060 : f32 to vector<1x1024xf32>
    %gt3A_1062 = arith.cmpf ogt, %get3A_1056, %gt3A_1061 : vector<1x1024xf32>
    %and3A_1063 = arith.andi %gt3A_1059, %gt3A_1062 : vector<1x1024xi1>
    %jit3A_1064 = arith.constant -1.000000e+00 : f32
    %broadcast_in_dim3A_1065 = vector.broadcast %jit3A_1064 : f32 to vector<1x1024xf32>
    %select_n3A_1066 = arith.select %and3A_1063, %get3A_1056, %broadcast_in_dim3A_1065 : vector<1x1024xi1>, vector<1x1024xf32>
    %broadcast_in_dim3A_1067 = arith.constant 0.000000e+00 : f32
    %broadcast_in_dim3A_1068 = vector.broadcast %broadcast_in_dim3A_1067 : f32 to vector<1x1024xf32>
    %iota3A_1069 = tpu.iota {dimensions = array<i32: 0>} : vector<128x1024xi32>
    %add3A_1070 = arith.constant 0 : i32
    %add3A_1071 = vector.broadcast %add3A_1070 : i32 to vector<128x1024xi32>
    %add3A_1072 = arith.addi %iota3A_1069, %add3A_1071 : vector<128x1024xi32>
    %eq3A_1073 = arith.cmpi eq, %add3A_1072, %iota3A_641 : vector<128x1024xi32>
    %jit3A_1074 = arith.constant 0.000000e+00 : f32
    %broadcast_in_dim3A_1075 = vector.shape_cast %select_n3A_1066 : vector<1x1024xf32> to vector<1x1024xf32>
    %broadcast_in_dim3A_1076 = vector.broadcast %broadcast_in_dim3A_1075 : vector<1x1024xf32> to vector<128x1024xf32>
    %broadcast_in_dim3A_1077 = vector.broadcast %jit3A_1074 : f32 to vector<128x1024xf32>
    %select_n3A_1078 = arith.select %eq3A_1073, %broadcast_in_dim3A_1076, %broadcast_in_dim3A_1077 : vector<128x1024xi1>, vector<128x1024xf32>
    %reduce_sum3A_1079 = arith.constant dense<0.000000e+00> : vector<128xf32>
    %reduce_sum3A_1080 = vector.multi_reduction <add>, %select_n3A_1078, %reduce_sum3A_1079 [1] : vector<128x1024xf32> to vector<128xf32>
    %broadcast_in_dim3A_1081 = vector.shape_cast %reduce_sum3A_1080 : vector<128xf32> to vector<128x1xf32>
    %gt3A_1082 = vector.broadcast %broadcast_in_dim3A_1081 : vector<128x1xf32> to vector<128x1024xf32>
    %gt3A_1083 = vector.broadcast %select_n3A_1066 : vector<1x1024xf32> to vector<128x1024xf32>
    %gt3A_1084 = arith.cmpf ogt, %gt3A_1082, %gt3A_1083 : vector<128x1024xf32>
    %eq3A_1085 = vector.broadcast %broadcast_in_dim3A_1081 : vector<128x1xf32> to vector<128x1024xf32>
    %eq3A_1086 = vector.broadcast %select_n3A_1066 : vector<1x1024xf32> to vector<128x1024xf32>
    %eq3A_1087 = arith.cmpf oeq, %eq3A_1085, %eq3A_1086 : vector<128x1024xf32>
    %lt3A = arith.cmpi slt, %add3A_1072, %iota3A_641 : vector<128x1024xi32>
    %and3A_1088 = arith.andi %eq3A_1087, %lt3A : vector<128x1024xi1>
    %or3A = arith.ori %gt3A_1084, %and3A_1088 : vector<128x1024xi1>
    %convert_element_type3A = arith.extui %or3A : vector<128x1024xi1> to vector<128x1024xi32>
    %convert_element_type3A_1089 = arith.sitofp %convert_element_type3A : vector<128x1024xi32> to vector<128x1024xf32>
    %reduce_sum3A_1090 = arith.constant dense<0.000000e+00> : vector<1024xf32>
    %reduce_sum3A_1091 = vector.multi_reduction <add>, %convert_element_type3A_1089, %reduce_sum3A_1090 [0] : vector<128x1024xf32> to vector<1024xf32>
    %broadcast_in_dim3A_1092 = vector.shape_cast %reduce_sum3A_1091 : vector<1024xf32> to vector<1x1024xf32>
    %add3A_1093 = arith.addf %broadcast_in_dim3A_1068, %broadcast_in_dim3A_1092 : vector<1x1024xf32>
    %iota3A_1094 = tpu.iota {dimensions = array<i32: 0>} : vector<128x1024xi32>
    %add3A_1095 = arith.constant 128 : i32
    %add3A_1096 = vector.broadcast %add3A_1095 : i32 to vector<128x1024xi32>
    %add3A_1097 = arith.addi %iota3A_1094, %add3A_1096 : vector<128x1024xi32>
    %eq3A_1098 = arith.cmpi eq, %add3A_1097, %iota3A_641 : vector<128x1024xi32>
    %jit3A_1099 = arith.constant 0.000000e+00 : f32
    %broadcast_in_dim3A_1100 = vector.shape_cast %select_n3A_1066 : vector<1x1024xf32> to vector<1x1024xf32>
    %broadcast_in_dim3A_1101 = vector.broadcast %broadcast_in_dim3A_1100 : vector<1x1024xf32> to vector<128x1024xf32>
    %broadcast_in_dim3A_1102 = vector.broadcast %jit3A_1099 : f32 to vector<128x1024xf32>
    %select_n3A_1103 = arith.select %eq3A_1098, %broadcast_in_dim3A_1101, %broadcast_in_dim3A_1102 : vector<128x1024xi1>, vector<128x1024xf32>
    %reduce_sum3A_1104 = arith.constant dense<0.000000e+00> : vector<128xf32>
    %reduce_sum3A_1105 = vector.multi_reduction <add>, %select_n3A_1103, %reduce_sum3A_1104 [1] : vector<128x1024xf32> to vector<128xf32>
    %broadcast_in_dim3A_1106 = vector.shape_cast %reduce_sum3A_1105 : vector<128xf32> to vector<128x1xf32>
    %gt3A_1107 = vector.broadcast %broadcast_in_dim3A_1106 : vector<128x1xf32> to vector<128x1024xf32>
    %gt3A_1108 = vector.broadcast %select_n3A_1066 : vector<1x1024xf32> to vector<128x1024xf32>
    %gt3A_1109 = arith.cmpf ogt, %gt3A_1107, %gt3A_1108 : vector<128x1024xf32>
    %eq3A_1110 = vector.broadcast %broadcast_in_dim3A_1106 : vector<128x1xf32> to vector<128x1024xf32>
    %eq3A_1111 = vector.broadcast %select_n3A_1066 : vector<1x1024xf32> to vector<128x1024xf32>
    %eq3A_1112 = arith.cmpf oeq, %eq3A_1110, %eq3A_1111 : vector<128x1024xf32>
    %lt3A_1113 = arith.cmpi slt, %add3A_1097, %iota3A_641 : vector<128x1024xi32>
    %and3A_1114 = arith.andi %eq3A_1112, %lt3A_1113 : vector<128x1024xi1>
    %or3A_1115 = arith.ori %gt3A_1109, %and3A_1114 : vector<128x1024xi1>
    %convert_element_type3A_1116 = arith.extui %or3A_1115 : vector<128x1024xi1> to vector<128x1024xi32>
    %convert_element_type3A_1117 = arith.sitofp %convert_element_type3A_1116 : vector<128x1024xi32> to vector<128x1024xf32>
    %reduce_sum3A_1118 = arith.constant dense<0.000000e+00> : vector<1024xf32>
    %reduce_sum3A_1119 = vector.multi_reduction <add>, %convert_element_type3A_1117, %reduce_sum3A_1118 [0] : vector<128x1024xf32> to vector<1024xf32>
    %broadcast_in_dim3A_1120 = vector.shape_cast %reduce_sum3A_1119 : vector<1024xf32> to vector<1x1024xf32>
    %add3A_1121 = arith.addf %add3A_1093, %broadcast_in_dim3A_1120 : vector<1x1024xf32>
    %iota3A_1122 = tpu.iota {dimensions = array<i32: 0>} : vector<128x1024xi32>
    %add3A_1123 = arith.constant 256 : i32
    %add3A_1124 = vector.broadcast %add3A_1123 : i32 to vector<128x1024xi32>
    %add3A_1125 = arith.addi %iota3A_1122, %add3A_1124 : vector<128x1024xi32>
    %eq3A_1126 = arith.cmpi eq, %add3A_1125, %iota3A_641 : vector<128x1024xi32>
    %jit3A_1127 = arith.constant 0.000000e+00 : f32
    %broadcast_in_dim3A_1128 = vector.shape_cast %select_n3A_1066 : vector<1x1024xf32> to vector<1x1024xf32>
    %broadcast_in_dim3A_1129 = vector.broadcast %broadcast_in_dim3A_1128 : vector<1x1024xf32> to vector<128x1024xf32>
    %broadcast_in_dim3A_1130 = vector.broadcast %jit3A_1127 : f32 to vector<128x1024xf32>
    %select_n3A_1131 = arith.select %eq3A_1126, %broadcast_in_dim3A_1129, %broadcast_in_dim3A_1130 : vector<128x1024xi1>, vector<128x1024xf32>
    %reduce_sum3A_1132 = arith.constant dense<0.000000e+00> : vector<128xf32>
    %reduce_sum3A_1133 = vector.multi_reduction <add>, %select_n3A_1131, %reduce_sum3A_1132 [1] : vector<128x1024xf32> to vector<128xf32>
    %broadcast_in_dim3A_1134 = vector.shape_cast %reduce_sum3A_1133 : vector<128xf32> to vector<128x1xf32>
    %gt3A_1135 = vector.broadcast %broadcast_in_dim3A_1134 : vector<128x1xf32> to vector<128x1024xf32>
    %gt3A_1136 = vector.broadcast %select_n3A_1066 : vector<1x1024xf32> to vector<128x1024xf32>
    %gt3A_1137 = arith.cmpf ogt, %gt3A_1135, %gt3A_1136 : vector<128x1024xf32>
    %eq3A_1138 = vector.broadcast %broadcast_in_dim3A_1134 : vector<128x1xf32> to vector<128x1024xf32>
    %eq3A_1139 = vector.broadcast %select_n3A_1066 : vector<1x1024xf32> to vector<128x1024xf32>
    %eq3A_1140 = arith.cmpf oeq, %eq3A_1138, %eq3A_1139 : vector<128x1024xf32>
    %lt3A_1141 = arith.cmpi slt, %add3A_1125, %iota3A_641 : vector<128x1024xi32>
    %and3A_1142 = arith.andi %eq3A_1140, %lt3A_1141 : vector<128x1024xi1>
    %or3A_1143 = arith.ori %gt3A_1137, %and3A_1142 : vector<128x1024xi1>
    %convert_element_type3A_1144 = arith.extui %or3A_1143 : vector<128x1024xi1> to vector<128x1024xi32>
    %convert_element_type3A_1145 = arith.sitofp %convert_element_type3A_1144 : vector<128x1024xi32> to vector<128x1024xf32>
    %reduce_sum3A_1146 = arith.constant dense<0.000000e+00> : vector<1024xf32>
    %reduce_sum3A_1147 = vector.multi_reduction <add>, %convert_element_type3A_1145, %reduce_sum3A_1146 [0] : vector<128x1024xf32> to vector<1024xf32>
    %broadcast_in_dim3A_1148 = vector.shape_cast %reduce_sum3A_1147 : vector<1024xf32> to vector<1x1024xf32>
    %add3A_1149 = arith.addf %add3A_1121, %broadcast_in_dim3A_1148 : vector<1x1024xf32>
    %iota3A_1150 = tpu.iota {dimensions = array<i32: 0>} : vector<128x1024xi32>
    %add3A_1151 = arith.constant 384 : i32
    %add3A_1152 = vector.broadcast %add3A_1151 : i32 to vector<128x1024xi32>
    %add3A_1153 = arith.addi %iota3A_1150, %add3A_1152 : vector<128x1024xi32>
    %eq3A_1154 = arith.cmpi eq, %add3A_1153, %iota3A_641 : vector<128x1024xi32>
    %jit3A_1155 = arith.constant 0.000000e+00 : f32
    %broadcast_in_dim3A_1156 = vector.shape_cast %select_n3A_1066 : vector<1x1024xf32> to vector<1x1024xf32>
    %broadcast_in_dim3A_1157 = vector.broadcast %broadcast_in_dim3A_1156 : vector<1x1024xf32> to vector<128x1024xf32>
    %broadcast_in_dim3A_1158 = vector.broadcast %jit3A_1155 : f32 to vector<128x1024xf32>
    %select_n3A_1159 = arith.select %eq3A_1154, %broadcast_in_dim3A_1157, %broadcast_in_dim3A_1158 : vector<128x1024xi1>, vector<128x1024xf32>
    %reduce_sum3A_1160 = arith.constant dense<0.000000e+00> : vector<128xf32>
    %reduce_sum3A_1161 = vector.multi_reduction <add>, %select_n3A_1159, %reduce_sum3A_1160 [1] : vector<128x1024xf32> to vector<128xf32>
    %broadcast_in_dim3A_1162 = vector.shape_cast %reduce_sum3A_1161 : vector<128xf32> to vector<128x1xf32>
    %gt3A_1163 = vector.broadcast %broadcast_in_dim3A_1162 : vector<128x1xf32> to vector<128x1024xf32>
    %gt3A_1164 = vector.broadcast %select_n3A_1066 : vector<1x1024xf32> to vector<128x1024xf32>
    %gt3A_1165 = arith.cmpf ogt, %gt3A_1163, %gt3A_1164 : vector<128x1024xf32>
    %eq3A_1166 = vector.broadcast %broadcast_in_dim3A_1162 : vector<128x1xf32> to vector<128x1024xf32>
    %eq3A_1167 = vector.broadcast %select_n3A_1066 : vector<1x1024xf32> to vector<128x1024xf32>
    %eq3A_1168 = arith.cmpf oeq, %eq3A_1166, %eq3A_1167 : vector<128x1024xf32>
    %lt3A_1169 = arith.cmpi slt, %add3A_1153, %iota3A_641 : vector<128x1024xi32>
    %and3A_1170 = arith.andi %eq3A_1168, %lt3A_1169 : vector<128x1024xi1>
    %or3A_1171 = arith.ori %gt3A_1165, %and3A_1170 : vector<128x1024xi1>
    %convert_element_type3A_1172 = arith.extui %or3A_1171 : vector<128x1024xi1> to vector<128x1024xi32>
    %convert_element_type3A_1173 = arith.sitofp %convert_element_type3A_1172 : vector<128x1024xi32> to vector<128x1024xf32>
    %reduce_sum3A_1174 = arith.constant dense<0.000000e+00> : vector<1024xf32>
    %reduce_sum3A_1175 = vector.multi_reduction <add>, %convert_element_type3A_1173, %reduce_sum3A_1174 [0] : vector<128x1024xf32> to vector<1024xf32>
    %broadcast_in_dim3A_1176 = vector.shape_cast %reduce_sum3A_1175 : vector<1024xf32> to vector<1x1024xf32>
    %add3A_1177 = arith.addf %add3A_1149, %broadcast_in_dim3A_1176 : vector<1x1024xf32>
    %iota3A_1178 = tpu.iota {dimensions = array<i32: 0>} : vector<128x1024xi32>
    %add3A_1179 = arith.constant 512 : i32
    %add3A_1180 = vector.broadcast %add3A_1179 : i32 to vector<128x1024xi32>
    %add3A_1181 = arith.addi %iota3A_1178, %add3A_1180 : vector<128x1024xi32>
    %eq3A_1182 = arith.cmpi eq, %add3A_1181, %iota3A_641 : vector<128x1024xi32>
    %jit3A_1183 = arith.constant 0.000000e+00 : f32
    %broadcast_in_dim3A_1184 = vector.shape_cast %select_n3A_1066 : vector<1x1024xf32> to vector<1x1024xf32>
    %broadcast_in_dim3A_1185 = vector.broadcast %broadcast_in_dim3A_1184 : vector<1x1024xf32> to vector<128x1024xf32>
    %broadcast_in_dim3A_1186 = vector.broadcast %jit3A_1183 : f32 to vector<128x1024xf32>
    %select_n3A_1187 = arith.select %eq3A_1182, %broadcast_in_dim3A_1185, %broadcast_in_dim3A_1186 : vector<128x1024xi1>, vector<128x1024xf32>
    %reduce_sum3A_1188 = arith.constant dense<0.000000e+00> : vector<128xf32>
    %reduce_sum3A_1189 = vector.multi_reduction <add>, %select_n3A_1187, %reduce_sum3A_1188 [1] : vector<128x1024xf32> to vector<128xf32>
    %broadcast_in_dim3A_1190 = vector.shape_cast %reduce_sum3A_1189 : vector<128xf32> to vector<128x1xf32>
    %gt3A_1191 = vector.broadcast %broadcast_in_dim3A_1190 : vector<128x1xf32> to vector<128x1024xf32>
    %gt3A_1192 = vector.broadcast %select_n3A_1066 : vector<1x1024xf32> to vector<128x1024xf32>
    %gt3A_1193 = arith.cmpf ogt, %gt3A_1191, %gt3A_1192 : vector<128x1024xf32>
    %eq3A_1194 = vector.broadcast %broadcast_in_dim3A_1190 : vector<128x1xf32> to vector<128x1024xf32>
    %eq3A_1195 = vector.broadcast %select_n3A_1066 : vector<1x1024xf32> to vector<128x1024xf32>
    %eq3A_1196 = arith.cmpf oeq, %eq3A_1194, %eq3A_1195 : vector<128x1024xf32>
    %lt3A_1197 = arith.cmpi slt, %add3A_1181, %iota3A_641 : vector<128x1024xi32>
    %and3A_1198 = arith.andi %eq3A_1196, %lt3A_1197 : vector<128x1024xi1>
    %or3A_1199 = arith.ori %gt3A_1193, %and3A_1198 : vector<128x1024xi1>
    %convert_element_type3A_1200 = arith.extui %or3A_1199 : vector<128x1024xi1> to vector<128x1024xi32>
    %convert_element_type3A_1201 = arith.sitofp %convert_element_type3A_1200 : vector<128x1024xi32> to vector<128x1024xf32>
    %reduce_sum3A_1202 = arith.constant dense<0.000000e+00> : vector<1024xf32>
    %reduce_sum3A_1203 = vector.multi_reduction <add>, %convert_element_type3A_1201, %reduce_sum3A_1202 [0] : vector<128x1024xf32> to vector<1024xf32>
    %broadcast_in_dim3A_1204 = vector.shape_cast %reduce_sum3A_1203 : vector<1024xf32> to vector<1x1024xf32>
    %add3A_1205 = arith.addf %add3A_1177, %broadcast_in_dim3A_1204 : vector<1x1024xf32>
    %iota3A_1206 = tpu.iota {dimensions = array<i32: 0>} : vector<128x1024xi32>
    %add3A_1207 = arith.constant 640 : i32
    %add3A_1208 = vector.broadcast %add3A_1207 : i32 to vector<128x1024xi32>
    %add3A_1209 = arith.addi %iota3A_1206, %add3A_1208 : vector<128x1024xi32>
    %eq3A_1210 = arith.cmpi eq, %add3A_1209, %iota3A_641 : vector<128x1024xi32>
    %jit3A_1211 = arith.constant 0.000000e+00 : f32
    %broadcast_in_dim3A_1212 = vector.shape_cast %select_n3A_1066 : vector<1x1024xf32> to vector<1x1024xf32>
    %broadcast_in_dim3A_1213 = vector.broadcast %broadcast_in_dim3A_1212 : vector<1x1024xf32> to vector<128x1024xf32>
    %broadcast_in_dim3A_1214 = vector.broadcast %jit3A_1211 : f32 to vector<128x1024xf32>
    %select_n3A_1215 = arith.select %eq3A_1210, %broadcast_in_dim3A_1213, %broadcast_in_dim3A_1214 : vector<128x1024xi1>, vector<128x1024xf32>
    %reduce_sum3A_1216 = arith.constant dense<0.000000e+00> : vector<128xf32>
    %reduce_sum3A_1217 = vector.multi_reduction <add>, %select_n3A_1215, %reduce_sum3A_1216 [1] : vector<128x1024xf32> to vector<128xf32>
    %broadcast_in_dim3A_1218 = vector.shape_cast %reduce_sum3A_1217 : vector<128xf32> to vector<128x1xf32>
    %gt3A_1219 = vector.broadcast %broadcast_in_dim3A_1218 : vector<128x1xf32> to vector<128x1024xf32>
    %gt3A_1220 = vector.broadcast %select_n3A_1066 : vector<1x1024xf32> to vector<128x1024xf32>
    %gt3A_1221 = arith.cmpf ogt, %gt3A_1219, %gt3A_1220 : vector<128x1024xf32>
    %eq3A_1222 = vector.broadcast %broadcast_in_dim3A_1218 : vector<128x1xf32> to vector<128x1024xf32>
    %eq3A_1223 = vector.broadcast %select_n3A_1066 : vector<1x1024xf32> to vector<128x1024xf32>
    %eq3A_1224 = arith.cmpf oeq, %eq3A_1222, %eq3A_1223 : vector<128x1024xf32>
    %lt3A_1225 = arith.cmpi slt, %add3A_1209, %iota3A_641 : vector<128x1024xi32>
    %and3A_1226 = arith.andi %eq3A_1224, %lt3A_1225 : vector<128x1024xi1>
    %or3A_1227 = arith.ori %gt3A_1221, %and3A_1226 : vector<128x1024xi1>
    %convert_element_type3A_1228 = arith.extui %or3A_1227 : vector<128x1024xi1> to vector<128x1024xi32>
    %convert_element_type3A_1229 = arith.sitofp %convert_element_type3A_1228 : vector<128x1024xi32> to vector<128x1024xf32>
    %reduce_sum3A_1230 = arith.constant dense<0.000000e+00> : vector<1024xf32>
    %reduce_sum3A_1231 = vector.multi_reduction <add>, %convert_element_type3A_1229, %reduce_sum3A_1230 [0] : vector<128x1024xf32> to vector<1024xf32>
    %broadcast_in_dim3A_1232 = vector.shape_cast %reduce_sum3A_1231 : vector<1024xf32> to vector<1x1024xf32>
    %add3A_1233 = arith.addf %add3A_1205, %broadcast_in_dim3A_1232 : vector<1x1024xf32>
    %iota3A_1234 = tpu.iota {dimensions = array<i32: 0>} : vector<128x1024xi32>
    %add3A_1235 = arith.constant 768 : i32
    %add3A_1236 = vector.broadcast %add3A_1235 : i32 to vector<128x1024xi32>
    %add3A_1237 = arith.addi %iota3A_1234, %add3A_1236 : vector<128x1024xi32>
    %eq3A_1238 = arith.cmpi eq, %add3A_1237, %iota3A_641 : vector<128x1024xi32>
    %jit3A_1239 = arith.constant 0.000000e+00 : f32
    %broadcast_in_dim3A_1240 = vector.shape_cast %select_n3A_1066 : vector<1x1024xf32> to vector<1x1024xf32>
    %broadcast_in_dim3A_1241 = vector.broadcast %broadcast_in_dim3A_1240 : vector<1x1024xf32> to vector<128x1024xf32>
    %broadcast_in_dim3A_1242 = vector.broadcast %jit3A_1239 : f32 to vector<128x1024xf32>
    %select_n3A_1243 = arith.select %eq3A_1238, %broadcast_in_dim3A_1241, %broadcast_in_dim3A_1242 : vector<128x1024xi1>, vector<128x1024xf32>
    %reduce_sum3A_1244 = arith.constant dense<0.000000e+00> : vector<128xf32>
    %reduce_sum3A_1245 = vector.multi_reduction <add>, %select_n3A_1243, %reduce_sum3A_1244 [1] : vector<128x1024xf32> to vector<128xf32>
    %broadcast_in_dim3A_1246 = vector.shape_cast %reduce_sum3A_1245 : vector<128xf32> to vector<128x1xf32>
    %gt3A_1247 = vector.broadcast %broadcast_in_dim3A_1246 : vector<128x1xf32> to vector<128x1024xf32>
    %gt3A_1248 = vector.broadcast %select_n3A_1066 : vector<1x1024xf32> to vector<128x1024xf32>
    %gt3A_1249 = arith.cmpf ogt, %gt3A_1247, %gt3A_1248 : vector<128x1024xf32>
    %eq3A_1250 = vector.broadcast %broadcast_in_dim3A_1246 : vector<128x1xf32> to vector<128x1024xf32>
    %eq3A_1251 = vector.broadcast %select_n3A_1066 : vector<1x1024xf32> to vector<128x1024xf32>
    %eq3A_1252 = arith.cmpf oeq, %eq3A_1250, %eq3A_1251 : vector<128x1024xf32>
    %lt3A_1253 = arith.cmpi slt, %add3A_1237, %iota3A_641 : vector<128x1024xi32>
    %and3A_1254 = arith.andi %eq3A_1252, %lt3A_1253 : vector<128x1024xi1>
    %or3A_1255 = arith.ori %gt3A_1249, %and3A_1254 : vector<128x1024xi1>
    %convert_element_type3A_1256 = arith.extui %or3A_1255 : vector<128x1024xi1> to vector<128x1024xi32>
    %convert_element_type3A_1257 = arith.sitofp %convert_element_type3A_1256 : vector<128x1024xi32> to vector<128x1024xf32>
    %reduce_sum3A_1258 = arith.constant dense<0.000000e+00> : vector<1024xf32>
    %reduce_sum3A_1259 = vector.multi_reduction <add>, %convert_element_type3A_1257, %reduce_sum3A_1258 [0] : vector<128x1024xf32> to vector<1024xf32>
    %broadcast_in_dim3A_1260 = vector.shape_cast %reduce_sum3A_1259 : vector<1024xf32> to vector<1x1024xf32>
    %add3A_1261 = arith.addf %add3A_1233, %broadcast_in_dim3A_1260 : vector<1x1024xf32>
    %iota3A_1262 = tpu.iota {dimensions = array<i32: 0>} : vector<128x1024xi32>
    %add3A_1263 = arith.constant 896 : i32
    %add3A_1264 = vector.broadcast %add3A_1263 : i32 to vector<128x1024xi32>
    %add3A_1265 = arith.addi %iota3A_1262, %add3A_1264 : vector<128x1024xi32>
    %eq3A_1266 = arith.cmpi eq, %add3A_1265, %iota3A_641 : vector<128x1024xi32>
    %jit3A_1267 = arith.constant 0.000000e+00 : f32
    %broadcast_in_dim3A_1268 = vector.shape_cast %select_n3A_1066 : vector<1x1024xf32> to vector<1x1024xf32>
    %broadcast_in_dim3A_1269 = vector.broadcast %broadcast_in_dim3A_1268 : vector<1x1024xf32> to vector<128x1024xf32>
    %broadcast_in_dim3A_1270 = vector.broadcast %jit3A_1267 : f32 to vector<128x1024xf32>
    %select_n3A_1271 = arith.select %eq3A_1266, %broadcast_in_dim3A_1269, %broadcast_in_dim3A_1270 : vector<128x1024xi1>, vector<128x1024xf32>
    %reduce_sum3A_1272 = arith.constant dense<0.000000e+00> : vector<128xf32>
    %reduce_sum3A_1273 = vector.multi_reduction <add>, %select_n3A_1271, %reduce_sum3A_1272 [1] : vector<128x1024xf32> to vector<128xf32>
    %broadcast_in_dim3A_1274 = vector.shape_cast %reduce_sum3A_1273 : vector<128xf32> to vector<128x1xf32>
    %gt3A_1275 = vector.broadcast %broadcast_in_dim3A_1274 : vector<128x1xf32> to vector<128x1024xf32>
    %gt3A_1276 = vector.broadcast %select_n3A_1066 : vector<1x1024xf32> to vector<128x1024xf32>
    %gt3A_1277 = arith.cmpf ogt, %gt3A_1275, %gt3A_1276 : vector<128x1024xf32>
    %eq3A_1278 = vector.broadcast %broadcast_in_dim3A_1274 : vector<128x1xf32> to vector<128x1024xf32>
    %eq3A_1279 = vector.broadcast %select_n3A_1066 : vector<1x1024xf32> to vector<128x1024xf32>
    %eq3A_1280 = arith.cmpf oeq, %eq3A_1278, %eq3A_1279 : vector<128x1024xf32>
    %lt3A_1281 = arith.cmpi slt, %add3A_1265, %iota3A_641 : vector<128x1024xi32>
    %and3A_1282 = arith.andi %eq3A_1280, %lt3A_1281 : vector<128x1024xi1>
    %or3A_1283 = arith.ori %gt3A_1277, %and3A_1282 : vector<128x1024xi1>
    %convert_element_type3A_1284 = arith.extui %or3A_1283 : vector<128x1024xi1> to vector<128x1024xi32>
    %convert_element_type3A_1285 = arith.sitofp %convert_element_type3A_1284 : vector<128x1024xi32> to vector<128x1024xf32>
    %reduce_sum3A_1286 = arith.constant dense<0.000000e+00> : vector<1024xf32>
    %reduce_sum3A_1287 = vector.multi_reduction <add>, %convert_element_type3A_1285, %reduce_sum3A_1286 [0] : vector<128x1024xf32> to vector<1024xf32>
    %broadcast_in_dim3A_1288 = vector.shape_cast %reduce_sum3A_1287 : vector<1024xf32> to vector<1x1024xf32>
    %add3A_1289 = arith.addf %add3A_1261, %broadcast_in_dim3A_1288 : vector<1x1024xf32>
    %get3A_1290 = arith.constant 0 : index
    %get3A_1291 = arith.constant 0 : index
    %get3A_1292 = arith.constant 0 : index
    %get3A_1293 = vector.load %arg1[%get3A_1290, %get3A_1291, %get3A_1292] : memref<1x1024x128xf32, #tpu.memory_space<vmem>>, vector<1x1024x16xf32>
    %get3A_1294 = vector.shape_cast %get3A_1293 : vector<1x1024x16xf32> to vector<1024x16xf32>
    %iota3A_1295 = tpu.iota {dimensions = array<i32: 0>} : vector<128x1024xi32>
    %add3A_1296 = arith.constant 0 : i32
    %add3A_1297 = vector.broadcast %add3A_1296 : i32 to vector<128x1024xi32>
    %add3A_1298 = arith.addi %iota3A_1295, %add3A_1297 : vector<128x1024xi32>
    %convert_element_type3A_1299 = arith.sitofp %add3A_1298 : vector<128x1024xi32> to vector<128x1024xf32>
    %eq3A_1300 = vector.broadcast %add3A_1289 : vector<1x1024xf32> to vector<128x1024xf32>
    %eq3A_1301 = arith.cmpf oeq, %eq3A_1300, %convert_element_type3A_1299 : vector<128x1024xf32>
    %convert_element_type3A_1302 = arith.extui %eq3A_1301 : vector<128x1024xi1> to vector<128x1024xi32>
    %convert_element_type3A_1303 = arith.sitofp %convert_element_type3A_1302 : vector<128x1024xi32> to vector<128x1024xf32>
    %dot_general3A = arith.constant dense<0.000000e+00> : vector<128x16xf32>
    %dot_general3A_1304 = tpu.matmul %convert_element_type3A_1303, %get3A_1294, %dot_general3A {dimension_numbers = #tpu.dot_dimension_numbers<[1], [0], [0], [1], [0, 0, 1, 1], [], []>, precision = #tpu.contract_precision<fp32>, transpose_lhs_hint = false} : vector<128x1024xf32>, vector<1024x16xf32>, vector<128x16xf32> -> vector<128x16xf32>
    %jit3A_1305 = arith.constant 0.000000e+00 : f32
    %broadcast_in_dim3A_1306 = vector.shape_cast %select_n3A_1066 : vector<1x1024xf32> to vector<1x1024xf32>
    %broadcast_in_dim3A_1307 = vector.broadcast %broadcast_in_dim3A_1306 : vector<1x1024xf32> to vector<128x1024xf32>
    %broadcast_in_dim3A_1308 = vector.broadcast %jit3A_1305 : f32 to vector<128x1024xf32>
    %select_n3A_1309 = arith.select %eq3A_1301, %broadcast_in_dim3A_1307, %broadcast_in_dim3A_1308 : vector<128x1024xi1>, vector<128x1024xf32>
    %reduce_sum3A_1310 = arith.constant dense<0.000000e+00> : vector<128xf32>
    %reduce_sum3A_1311 = vector.multi_reduction <add>, %select_n3A_1309, %reduce_sum3A_1310 [1] : vector<128x1024xf32> to vector<128xf32>
    %broadcast_in_dim3A_1312 = vector.shape_cast %reduce_sum3A_1311 : vector<128xf32> to vector<128x1xf32>
    %slice3A_1313 = vector.extract_strided_slice %dot_general3A_1304 {offsets = [0, 0], sizes = [128, 7], strides = [1, 1]} : vector<128x16xf32> to vector<128x7xf32>
    %swap3A_1314 = arith.constant 0 : index
    %swap3A_1315 = arith.constant 0 : index
    %swap3A_1316 = arith.constant 0 : index
    %swap3A_1317 = vector.load %arg3[%swap3A_1314, %swap3A_1315, %swap3A_1316] : memref<1x256x7xf32, #tpu.memory_space<vmem>>, vector<1x128x7xf32>
    %swap3A_1318 = vector.shape_cast %swap3A_1317 : vector<1x128x7xf32> to vector<128x7xf32>
    %swap3A_1319 = vector.shape_cast %slice3A_1313 : vector<128x7xf32> to vector<1x128x7xf32>
    tpu.vector_store %arg3[%swap3A_1314, %swap3A_1315, %swap3A_1316], %swap3A_1319 {strides = array<i32>} : memref<1x256x7xf32, #tpu.memory_space<vmem>>, vector<1x128x7xf32>,
    %gt3A_1320 = arith.constant 0.000000e+00 : f32
    %gt3A_1321 = vector.broadcast %gt3A_1320 : f32 to vector<128x1xf32>
    %gt3A_1322 = arith.cmpf ogt, %broadcast_in_dim3A_1312, %gt3A_1321 : vector<128x1xf32>
    %jit3A_1323 = arith.constant 0.000000e+00 : f32
    %broadcast_in_dim3A_1324 = vector.broadcast %jit3A_1323 : f32 to vector<128x1xf32>
    %select_n3A_1325 = arith.select %gt3A_1322, %broadcast_in_dim3A_1312, %broadcast_in_dim3A_1324 : vector<128x1xi1>, vector<128x1xf32>
    %swap3A_1326 = arith.constant 0 : index
    %swap3A_1327 = arith.constant 0 : index
    %swap3A_1328 = arith.constant 0 : index
    %swap3A_1329 = vector.load %arg4[%swap3A_1326, %swap3A_1327, %swap3A_1328] : memref<1x256x1xf32, #tpu.memory_space<vmem>>, vector<1x128x1xf32>
    %swap3A_1330 = vector.shape_cast %swap3A_1329 : vector<1x128x1xf32> to vector<128x1xf32>
    %swap3A_1331 = vector.shape_cast %select_n3A_1325 : vector<128x1xf32> to vector<1x128x1xf32>
    tpu.vector_store %arg4[%swap3A_1326, %swap3A_1327, %swap3A_1328], %swap3A_1331 {strides = array<i32>} : memref<1x256x1xf32, #tpu.memory_space<vmem>>, vector<1x128x1xf32>,
    %gt3A_1332 = arith.constant 0.000000e+00 : f32
    %gt3A_1333 = vector.broadcast %gt3A_1332 : f32 to vector<128x1xf32>
    %gt3A_1334 = arith.cmpf ogt, %broadcast_in_dim3A_1312, %gt3A_1333 : vector<128x1xf32>
    %slice3A_1335 = vector.extract_strided_slice %dot_general3A_1304 {offsets = [0, 7], sizes = [128, 1], strides = [1, 1]} : vector<128x16xf32> to vector<128x1xf32>
    %jit3A_1336 = arith.constant 0.000000e+00 : f32
    %broadcast_in_dim3A_1337 = vector.broadcast %jit3A_1336 : f32 to vector<128x1xf32>
    %select_n3A_1338 = arith.select %gt3A_1334, %slice3A_1335, %broadcast_in_dim3A_1337 : vector<128x1xi1>, vector<128x1xf32>
    %convert_element_type3A_1339 = arith.fptosi %select_n3A_1338 : vector<128x1xf32> to vector<128x1xi32>
    %swap3A_1340 = arith.constant 0 : index
    %swap3A_1341 = arith.constant 0 : index
    %swap3A_1342 = arith.constant 0 : index
    %swap3A_1343 = vector.load %arg5[%swap3A_1340, %swap3A_1341, %swap3A_1342] : memref<1x256x1xi32, #tpu.memory_space<vmem>>, vector<1x128x1xi32>
    %swap3A_1344 = vector.shape_cast %swap3A_1343 : vector<1x128x1xi32> to vector<128x1xi32>
    %swap3A_1345 = vector.shape_cast %convert_element_type3A_1339 : vector<128x1xi32> to vector<1x128x1xi32>
    tpu.vector_store %arg5[%swap3A_1340, %swap3A_1341, %swap3A_1342], %swap3A_1345 {strides = array<i32>} : memref<1x256x1xi32, #tpu.memory_space<vmem>>, vector<1x128x1xi32>,
    %iota3A_1346 = tpu.iota {dimensions = array<i32: 0>} : vector<128x1024xi32>
    %add3A_1347 = arith.constant 128 : i32
    %add3A_1348 = vector.broadcast %add3A_1347 : i32 to vector<128x1024xi32>
    %add3A_1349 = arith.addi %iota3A_1346, %add3A_1348 : vector<128x1024xi32>
    %convert_element_type3A_1350 = arith.sitofp %add3A_1349 : vector<128x1024xi32> to vector<128x1024xf32>
    %eq3A_1351 = vector.broadcast %add3A_1289 : vector<1x1024xf32> to vector<128x1024xf32>
    %eq3A_1352 = arith.cmpf oeq, %eq3A_1351, %convert_element_type3A_1350 : vector<128x1024xf32>
    %convert_element_type3A_1353 = arith.extui %eq3A_1352 : vector<128x1024xi1> to vector<128x1024xi32>
    %convert_element_type3A_1354 = arith.sitofp %convert_element_type3A_1353 : vector<128x1024xi32> to vector<128x1024xf32>
    %dot_general3A_1355 = arith.constant dense<0.000000e+00> : vector<128x16xf32>
    %dot_general3A_1356 = tpu.matmul %convert_element_type3A_1354, %get3A_1294, %dot_general3A_1355 {dimension_numbers = #tpu.dot_dimension_numbers<[1], [0], [0], [1], [0, 0, 1, 1], [], []>, precision = #tpu.contract_precision<fp32>, transpose_lhs_hint = false} : vector<128x1024xf32>, vector<1024x16xf32>, vector<128x16xf32> -> vector<128x16xf32>
    %jit3A_1357 = arith.constant 0.000000e+00 : f32
    %broadcast_in_dim3A_1358 = vector.shape_cast %select_n3A_1066 : vector<1x1024xf32> to vector<1x1024xf32>
    %broadcast_in_dim3A_1359 = vector.broadcast %broadcast_in_dim3A_1358 : vector<1x1024xf32> to vector<128x1024xf32>
    %broadcast_in_dim3A_1360 = vector.broadcast %jit3A_1357 : f32 to vector<128x1024xf32>
    %select_n3A_1361 = arith.select %eq3A_1352, %broadcast_in_dim3A_1359, %broadcast_in_dim3A_1360 : vector<128x1024xi1>, vector<128x1024xf32>
    %reduce_sum3A_1362 = arith.constant dense<0.000000e+00> : vector<128xf32>
    %reduce_sum3A_1363 = vector.multi_reduction <add>, %select_n3A_1361, %reduce_sum3A_1362 [1] : vector<128x1024xf32> to vector<128xf32>
    %broadcast_in_dim3A_1364 = vector.shape_cast %reduce_sum3A_1363 : vector<128xf32> to vector<128x1xf32>
    %slice3A_1365 = vector.extract_strided_slice %dot_general3A_1356 {offsets = [0, 0], sizes = [128, 7], strides = [1, 1]} : vector<128x16xf32> to vector<128x7xf32>
    %swap3A_1366 = arith.constant 0 : index
    %swap3A_1367 = arith.constant 128 : index
    %swap3A_1368 = arith.constant 0 : index
    %swap3A_1369 = vector.load %arg3[%swap3A_1366, %swap3A_1367, %swap3A_1368] : memref<1x256x7xf32, #tpu.memory_space<vmem>>, vector<1x128x7xf32>
    %swap3A_1370 = vector.shape_cast %swap3A_1369 : vector<1x128x7xf32> to vector<128x7xf32>
    %swap3A_1371 = vector.shape_cast %slice3A_1365 : vector<128x7xf32> to vector<1x128x7xf32>
    tpu.vector_store %arg3[%swap3A_1366, %swap3A_1367, %swap3A_1368], %swap3A_1371 {strides = array<i32>} : memref<1x256x7xf32, #tpu.memory_space<vmem>>, vector<1x128x7xf32>,
    %gt3A_1372 = arith.constant 0.000000e+00 : f32
    %gt3A_1373 = vector.broadcast %gt3A_1372 : f32 to vector<128x1xf32>
    %gt3A_1374 = arith.cmpf ogt, %broadcast_in_dim3A_1364, %gt3A_1373 : vector<128x1xf32>
    %jit3A_1375 = arith.constant 0.000000e+00 : f32
    %broadcast_in_dim3A_1376 = vector.broadcast %jit3A_1375 : f32 to vector<128x1xf32>
    %select_n3A_1377 = arith.select %gt3A_1374, %broadcast_in_dim3A_1364, %broadcast_in_dim3A_1376 : vector<128x1xi1>, vector<128x1xf32>
    %swap3A_1378 = arith.constant 0 : index
    %swap3A_1379 = arith.constant 128 : index
    %swap3A_1380 = arith.constant 0 : index
    %swap3A_1381 = vector.load %arg4[%swap3A_1378, %swap3A_1379, %swap3A_1380] : memref<1x256x1xf32, #tpu.memory_space<vmem>>, vector<1x128x1xf32>
    %swap3A_1382 = vector.shape_cast %swap3A_1381 : vector<1x128x1xf32> to vector<128x1xf32>
    %swap3A_1383 = vector.shape_cast %select_n3A_1377 : vector<128x1xf32> to vector<1x128x1xf32>
    tpu.vector_store %arg4[%swap3A_1378, %swap3A_1379, %swap3A_1380], %swap3A_1383 {strides = array<i32>} : memref<1x256x1xf32, #tpu.memory_space<vmem>>, vector<1x128x1xf32>,
    %gt3A_1384 = arith.constant 0.000000e+00 : f32
    %gt3A_1385 = vector.broadcast %gt3A_1384 : f32 to vector<128x1xf32>
    %gt3A_1386 = arith.cmpf ogt, %broadcast_in_dim3A_1364, %gt3A_1385 : vector<128x1xf32>
    %slice3A_1387 = vector.extract_strided_slice %dot_general3A_1356 {offsets = [0, 7], sizes = [128, 1], strides = [1, 1]} : vector<128x16xf32> to vector<128x1xf32>
    %jit3A_1388 = arith.constant 0.000000e+00 : f32
    %broadcast_in_dim3A_1389 = vector.broadcast %jit3A_1388 : f32 to vector<128x1xf32>
    %select_n3A_1390 = arith.select %gt3A_1386, %slice3A_1387, %broadcast_in_dim3A_1389 : vector<128x1xi1>, vector<128x1xf32>
    %convert_element_type3A_1391 = arith.fptosi %select_n3A_1390 : vector<128x1xf32> to vector<128x1xi32>
    %swap3A_1392 = arith.constant 0 : index
    %swap3A_1393 = arith.constant 128 : index
    %swap3A_1394 = arith.constant 0 : index
    %swap3A_1395 = vector.load %arg5[%swap3A_1392, %swap3A_1393, %swap3A_1394] : memref<1x256x1xi32, #tpu.memory_space<vmem>>, vector<1x128x1xi32>
    %swap3A_1396 = vector.shape_cast %swap3A_1395 : vector<1x128x1xi32> to vector<128x1xi32>
    %swap3A_1397 = vector.shape_cast %convert_element_type3A_1391 : vector<128x1xi32> to vector<1x128x1xi32>
    tpu.vector_store %arg5[%swap3A_1392, %swap3A_1393, %swap3A_1394], %swap3A_1397 {strides = array<i32>} : memref<1x256x1xi32, #tpu.memory_space<vmem>>, vector<1x128x1xi32>,
    return
  }
  func.func @transform_0(%arg0: i32) -> (i32, i32, i32) {
    %c0_i32 = arith.constant 0 : i32
    %c0_i32_0 = arith.constant 0 : i32
    %c0_i32_1 = arith.constant 0 : i32
    return %arg0, %c0_i32, %c0_i32_0 : i32, i32, i32
  }
  func.func @transform_1(%arg0: i32) -> (i32, i32, i32) {
    %c0_i32 = arith.constant 0 : i32
    %c0_i32_0 = arith.constant 0 : i32
    %c0_i32_1 = arith.constant 0 : i32
    return %arg0, %c0_i32, %c0_i32_0 : i32, i32, i32
  }
  func.func @transform_2(%arg0: i32) -> (i32, i32, i32) {
    %c0_i32 = arith.constant 0 : i32
    %c0_i32_0 = arith.constant 0 : i32
    %c0_i32_1 = arith.constant 0 : i32
    return %arg0, %c0_i32, %c0_i32_0 : i32, i32, i32
  }
  func.func @transform_3(%arg0: i32) -> (i32, i32, i32) {
    %c0_i32 = arith.constant 0 : i32
    %c0_i32_0 = arith.constant 0 : i32
    %c0_i32_1 = arith.constant 0 : i32
    return %arg0, %c0_i32, %c0_i32_0 : i32, i32, i32
  }
  func.func @transform_4(%arg0: i32) -> (i32, i32, i32) {
    %c0_i32 = arith.constant 0 : i32
    %c0_i32_0 = arith.constant 0 : i32
    %c0_i32_1 = arith.constant 0 : i32
    return %arg0, %c0_i32, %c0_i32_0 : i32, i32, i32
  }
}

</mosaic_0001>

<sc_bundles>
// kernel: kernel.5.cloned.1.call-start
scs
__scs_entry_jumppad:
0x0: {  	(pc) =	sbr.rel $0x88, $3  }
0x1: {  	(tag) =	ssettag $0x0;
	lr =	simm.s32 $0x1  }
0x2: {  	[smem:$0x3F9F] =	sst lr;
	_ =	strace $0xD0000000  }
0x3: {  	_ = 	snop  }
0x4: {  	_ = 	snop  }
0x5: {  	_ = 	snop  }
0x6: {  	_ = 	snop  }
0x7: {  	_ = 	snop  }
__scs_overlays_trampoline_lowered:
0x8: {  	[smem:$0x3FAE] =	sst s0  }
0x9: {  	[smem:$0x3FAF] =	sst s1  }
0xa: {  	[smem:$0x3FB0] =	sst s2  }
0xb: {  	[smem:$0x3FB1] =	sst s3  }
0xc: {  	[smem:$0x3FB2] =	sst s4  }
0xd: {  	[smem:$0x3FB3] =	sst s5  }
0xe: {  	[smem:$0x3FB4] =	sst s6  }
0xf: {  	[smem:$0x3FB5] =	sst s7  }
0x10: {  	[smem:$0x3FB6] =	sst s8  }
0x11: {  	[smem:$0x3FB7] =	sst s9;
	s0 =	simm.s32 @!p0 $0x0  }
0x12: {  	s1 =	sld [smem:$0x3F9D];
	s0 =	simm.s32 @p0 $0x1  }
0x13: {  	[smem:$0x3FB8] =	sst s0;
	s0 =	simm.s32 @!p1 $0x0  }
0x14: {  	s2 =	sld [smem:$0x3F9C];
	s0 =	simm.s32 @p1 $0x1  }
0x15: {  	[smem:$0x3FB9] =	sst s0;
	s0 =	simm.s32 @!p2 $0x0  }
0x16: {  	s3 =	sld [smem:$0x3FDB];
	s0 =	simm.s32 @p2 $0x1  }
0x17: {  	s4 =	simm.s32 $0x1BF5;
	[smem:$0x3FBB] =	sst s0  }
0x18: {  	s0 =	sld [smem:$0x3F9E];
	_ =	swait.ge [sflag:s4], $0x0  }
0x19: {  	s7 =	sld [smem:$0x3F9F]  }
0x1a: {  	s8 =	sadd.s32 $0xFFFFE003, lr  }
0x1b: {  	s9 =	sadd.s32 $0xFFFFFEF7, lr;
	s5 =	simm.s32 $0xFFFFFFFF;
	p2 =	slt.u32 s8, $0xFFFFF086  }
0x1c: {  	p1 =	slt.u32 s9, $0xF7A;
	s5 =	simm.s32 @!p2 $0x0  }
0x1d: {  	s5 =	simm.s32 @p1 $0x1;
	p0 =	seq.s32 s7, s2  }
0x1e: {  	s7 =	smul.u32 @!p0 $0xF7A, s2;
	p2 =	seq.s32 @!p0 s5, $0x0  }
0x1f: {  	s9 =	smul.u32 $0xF7A, s1;
	s8 =	simm.s32 @!p0 $0x1BF5;
	p2 =	por !p2, p0  }
0x20: {  	[sflag:s8] =	ssyncset.s32 @!p0 $0xFFFFF086;
	s6 =	sadd.s32 @!p0 s3, s7;
	s7 =	simm.s32 @!p0 $0x108  }
0x21: {  	s3 =	sadd.s32 s3, s9;
	s6 =	sadd.s32 @!p0 $0x88, s6;
	s7 =	simm.s32 @p2 $0x1082  }
0x22: {  	[simem:s7], [sflag:s8] =	dma.local @!p0 [hbm:s6], $0xF7A  }
0x23: {  	s9 =	sor.u32 $0xD0000000, s2;
	s6 =	simm.s32 $0x108;
	_ =	swait.ge @!p0 [sflag:s8], $0x0  }
0x24: {  	s3 =	sadd.s32 $0x88, s3;
	s6 =	simm.s32 @!p1 $0x1082;
	[sflag:s4] =	ssyncset.s32 $0xFFFFF086  }
0x25: {  	[simem:s6], [sflag:s4] =	dma.local [hbm:s3], $0xF7A  }
0x26: {  	[smem:$0x3F9F] =	sst s1;
	(tag) =	ssettag s2;
	_ =	strace s9  }
0x27: {  	s1 =	sld [smem:$0x3FAF]  }
0x28: {  	s2 =	sld [smem:$0x3FB0]  }
0x29: {  	s4 =	sld [smem:$0x3FB2]  }
0x2a: {  	p0 =	seq.s32 s5, $0x0;
	s5 =	sld [smem:$0x3FB3]  }
0x2b: {  	s6 =	sld [smem:$0x3FB4]  }
0x2c: {  	s7 =	sld [smem:$0x3FB5]  }
0x2d: {  	s3 =	simm.s32 $0x108;
	s8 =	sld [smem:$0x3FB6]  }
0x2e: {  	s3 =	simm.s32 @!p0 $0x1082;
	s9 =	sld [smem:$0x3FB7]  }
0x2f: {  	lr =	sadd.s32 s0, s3;
	s0 =	sld [smem:$0x3FAE]  }
0x30: {  	s3 =	sld [smem:$0x3FB1]  }
0x31: {  	[smem:$0x3FBA] =	sst s10  }
0x32: {  	s10 =	sld [smem:$0x3FB8];
	_ =	sdelay $0x3  }
0x33: {  	p0 =	seq.s32 s10, $0x1;
	s10 =	sld [smem:$0x3FBA];
	_ =	sdelay $0x3  }
0x34: {  	[smem:$0x3FBA] =	sst s10  }
0x35: {  	s10 =	sld [smem:$0x3FB9];
	_ =	sdelay $0x3  }
0x36: {  	p1 =	seq.s32 s10, $0x1;
	s10 =	sld [smem:$0x3FBA];
	_ =	sdelay $0x3  }
0x37: {  	[smem:$0x3FBA] =	sst s10  }
0x38: {  	s10 =	sld [smem:$0x3FBB]  }
0x39: {  	_ = 	snop;
	(pc) =	sbr.ind lr, $3  }
0x3a: {  	_ = 	snop  }
0x3b: {  	_ = 	snop  }
0x3c: {  	p2 =	seq.s32 s10, $0x1;
	s10 =	sld [smem:$0x3FBA]  }
0x3d: {  	_ =	shalt  }
0x3e: {  	_ =	shalt  }
0x3f: {  	_ =	shalt  }
0x40: {  	_ =	shalt  }
0x41: {  	_ =	shalt  }
0x42: {  	_ =	shalt  }
0x43: {  	_ =	shalt  }
0x44: {  	_ =	shalt  }
0x45: {  	_ =	shalt  }
0x46: {  	_ =	shalt  }
0x47: {  	_ =	shalt  }
0x48: {  	_ =	shalt  }
0x49: {  	_ =	shalt  }
0x4a: {  	_ =	shalt  }
0x4b: {  	_ =	shalt  }
0x4c: {  	_ =	shalt  }
0x4d: {  	_ =	shalt  }
0x4e: {  	_ =	shalt  }
0x4f: {  	_ =	shalt  }
0x50: {  	_ =	shalt  }
0x51: {  	_ =	shalt  }
0x52: {  	_ =	shalt  }
0x53: {  	_ =	shalt  }
0x54: {  	_ =	shalt  }
0x55: {  	_ =	shalt  }
0x56: {  	_ =	shalt  }
0x57: {  	_ =	shalt  }
0x58: {  	_ =	shalt  }
0x59: {  	_ =	shalt  }
0x5a: {  	_ =	shalt  }
0x5b: {  	_ =	shalt  }
0x5c: {  	_ =	shalt  }
0x5d: {  	_ =	shalt  }
0x5e: {  	_ =	shalt  }
0x5f: {  	_ =	shalt  }
0x60: {  	_ =	shalt  }
0x61: {  	_ =	shalt  }
0x62: {  	_ =	shalt  }
0x63: {  	_ =	shalt  }
0x64: {  	_ =	shalt  }
0x65: {  	_ =	shalt  }
0x66: {  	_ =	shalt  }
0x67: {  	_ =	shalt  }
0x68: {  	_ =	shalt  }
0x69: {  	_ =	shalt  }
0x6a: {  	_ =	shalt  }
0x6b: {  	_ =	shalt  }
0x6c: {  	_ =	shalt  }
0x6d: {  	_ =	shalt  }
0x6e: {  	_ =	shalt  }
0x6f: {  	_ =	shalt  }
0x70: {  	_ =	shalt  }
0x71: {  	_ =	shalt  }
0x72: {  	_ =	shalt  }
0x73: {  	_ =	shalt  }
0x74: {  	_ =	shalt  }
0x75: {  	_ =	shalt  }
0x76: {  	_ =	shalt  }
0x77: {  	_ =	shalt  }
0x78: {  	_ =	shalt  }
0x79: {  	_ =	shalt  }
0x7a: {  	_ =	shalt  }
0x7b: {  	_ =	shalt  }
0x7c: {  	_ =	shalt  }
0x7d: {  	_ =	shalt  }
0x7e: {  	_ =	shalt  }
0x7f: {  	_ =	shalt  }
0x80: {  	_ =	shalt  }
0x81: {  	_ =	shalt  }
0x82: {  	_ =	shalt  }
0x83: {  	_ =	shalt  }
0x84: {  	_ =	shalt  }
0x85: {  	_ =	shalt  }
0x86: {  	_ =	shalt  }
0x87: {  	_ =	shalt  }
.Lfunc_end0:
.L_simem_size_0:
called_computation_lowered:
.L_overlay_start_0:
0x88: {  	s2 =	sld [smem:$0x3FD9]  }
0x89: {  	s3 =	sld [smem:$0x3FFE];
	_ =	sdelay $0x1  }
0x8a: {  	s1 =	srdreg.scid  }
0x8b: {  	s0 =	sand.u32 $0x1, s1  }
0x8c: {  	s14 =	sshll.u32 s0, $0xA;
	s2 =	sadd.s32 s3, s2  }
0x8d: {  	s2 =	sadd.s32 s2, s14  }
0x8e: {  	[smem:$0x3FC6] =	sst s2  }
0x8f: {  	_ = 	snop  }
0x90: {  	s2 =	sld [smem:$0x3FD0];
	_ =	sdelay $0x2  }
0x91: {  	s15 =	simm.s32 $0xA;
	s4 =	simm.s32 $0x10  }
0x92: {  	[smem:s4], [sflag:s15] =	dma.local [hbm:s2], $0x1  }
0x93: {  	_ =	swait.eq [sflag:s15], $0x1  }
0x94: {  	[sflag:s15] =	ssyncset.done $0x0  }
0x95: {  	[sflag:s15] =	ssyncadd.s32 $0xFFFFFFFF  }
0x96: {  	s16 =	sld [smem:$0x10];
	(tm) =	ssettm $0x1  }
0x97: {  	s17 =	sld [smem:$0x3FFB];
	_ =	sdelay $0x3  }
0x98: {  	_ =	strace s17  }
0x99: {  	s3 =	sld [smem:$0x3FFC];
	_ =	sdelay $0x3  }
0x9a: {  	_ =	strace s3  }
0x9b: {  	s3 =	sld [smem:$0x3FFD];
	_ =	sdelay $0x3  }
0x9c: {  	_ =	strace s3  }
0x9d: {  	_ =	strace $0x8FFFFFFF  }
0x9e: {  	s18 =	sld [smem:$0x3FDB];
	_ =	sdelay $0x1  }
0x9f: {  	s19 =	simm.s32 $_scs_section_size  }
0xa0: {  	s5 =	simm.s32 $_size__tile_overlayer_lowered;
	s6 =	simm.s32 $_tile_overlayer_lowered  }
0xa1: {  	s22 =	simm.s32 $0x1BFF;
	s21 =	sshll.u32 s6, $0x1;
	s3 =	sadd.s32 s19, s18  }
0xa2: {  	s7 =	simm.s32 $0x0;
	s20 =	sshll.u32 s5, $0x1;
	s5 =	sadd.s32 s21, s3  }
0xa3: {  	[timem:s7], [sflag:s22] =	dma.local [hbm:s5], s20  }
0xa4: {  	_ =	swait.ge [sflag:s22], s20  }
0xa5: {  	s4 =	ssub.s32 $0x0, s20;
	[sflag:s22] =	ssyncset.done $0x0  }
0xa6: {  	[sflag:s22] =	ssyncadd.s32 s4;
	_ =	sdelay $0x1  }
0xa7: {  	s23 =	simm.s32 $0x1B8B  }
0xa8: {  	_ =	swait.ge [sflag:s23], $0x1  }
0xa9: {  	[sflag:s23] =	ssyncset.done $0x0  }
0xaa: {  	s25 =	simm.s32 $0x1B8E;
	s24 =	sld [smem:$0x3FFE];
	[sflag:s23] =	ssyncadd.s32 $0xFFFFFFFF  }
0xab: {  	s26 =	simm.s32 $execute0_lowered;
	[smem:$0x3FD2] =	sst s25  }
0xac: {  	s5 =	sshll.u32 s26, $0x1;
	_ =	strace $0x80000046;
	[dreg:$0x1] =	wrdreg $0xFFFFFFFF  }
0xad: {  	s28 =	simm.s32 $_size_execute0_lowered;
	s3 =	sadd.s32 s3, s5;
	[dreg:$0x0] =	wrdreg $0x0  }
0xae: {  	s5 =	sshll.u32 s28, $0x1;
	[dreg:$0x2] =	wrdreg s3  }
0xaf: {  	[dreg:$0x3] =	wrdreg s5  }
0xb0: {  	[dreg:$0x4] =	wrdreg $0xC0  }
0xb1: {  	_ =	task [dreg:s7], $0x5FFFF  }
0xb2: {  	[dreg:$0x1] =	wrdreg $0xFFFFFFFF  }
0xb3: {  	[dreg:$0x0] =	wrdreg $0x60  }
0xb4: {  	[dreg:$0x2] =	wrdreg s24  }
0xb5: {  	[dreg:$0x3] =	wrdreg s16  }
0xb6: {  	[dreg:$0x4] =	wrdreg $0x9  }
0xb7: {  	_ =	task.clear_ibuf [dreg:s7], $0x5FFFF;
	_ =	strace $0x90000046  }
0xb8: {  	s29 =	simm.s32 $0x9;
	_ =	strace $0x80000048  }
0xb9: {  	_ =	swait.ge [sflag:s29], $0x1  }
0xba: {  	[sflag:s29] =	ssyncadd.s32 $0xFFFFFFFF  }
0xbb: {  	_ =	strace $0x90000048  }
0xbc: {  	_ =	sfence  }
0xbd: {  	s30 =	sld [smem:$0x0];
	_ =	sdelay $0x2  }
0xbe: {  	s31 =	sshll.u32 s1, $0xD;
	s1 =	sshrl.u32 s1, $0x2  }
0xbf: {  	s3 =	sand.u32 $0x4000, s31;
	s1 =	sadd.s32 s1, s30  }
0xc0: {  	s0 =	sor.u32 s3, s0;
	s1 =	sshll.u32 s1, $0x11  }
0xc1: {  	s0 =	sor.u32 s1, s0  }
0xc2: {  	s0 =	sadd.s32 $0x8F2B, s0  }
0xc3: {  	[sflag:s0] =	ssyncadd.remote.s32 $0x1  }
0xc4: {  	_ =	sfence.sel $0xFFFF  }
0xc5: {  	[dreg:$0x0] =	wrdreg $0xFFFFFFFF;
	(pc) =	sbr.abs _section_cstart, $3  }
0xc6: {  	[dreg:$0x1] =	wrdreg $0xFFFFFFFF  }
0xc7: {  	_ =	task.clear_ibuf [dreg:s7], $0x2FFFF;
	_ =	strace $0x9FFFFFFF  }
0xc8: {  	(tm) =	ssettm $0x7FFFFFFF  }
0xc9: {  	_ =	shalt  }
tec
execute0_lowered:
.L_overlay_start_1:
0x0: {  	(tag) =	ssettag $0x1  }
0x1: {  	s1 =	srdreg.scid;
	s8 =	rddreg [dreg:$0x0]  }
0x2: {  	s0 =	stileid.u32;
	s3 =	rddreg [dreg:$0x1];
	s6 =	sand.u32 $0x1, s1  }
0x3: {  	s2 =	simm.s32 $0x0;
	s4 =	sshll.u32 s0, $0x8;
	s5 =	sshll.u32 s6, $0x7  }
0x4: {  	[smem:$0x7FF] =	sst s2;
	s9 =	sor.u32 s5, s4  }
0x5: {  	s1 =	rddreg [dreg:$0x2];
	_ =	strace $0x80000047;
	s4 =	sshrl.u32 s9, $0x3  }
0x6: {  	s10 =	ssub.s32 $0x2, s6;
	s4 =	sadd.s32 s3, s4;
	s3 =	simm.s32 $0x2  }
0x7: {  	[tilespmem:s2], [sflag:$0x2] =	stream.linear.gather [hbm4b:s4+s2], $0x80, $0x38;
	[tilespmem:$0x4080] =	vst v63  }
0x8: {  	s7 =	simm.s32 $0x1;
	s11 =	sshrl.u32 s10, $0x1;
	_ =	swait.ge [sflag:s3], $0x80  }
0x9: {  	s6 =	simm.s32 $0x80;
	s10 =	ssub.s32 s10, s11;
	[sflag:s3] =	ssyncset.done $0x0  }
0xa: {  	s5 =	sadd.s32 $0x271000, s8;
	s31 =	smax.u32 s10, $0x1;
	[sflag:s3] =	ssyncadd.s32 $0xFFFFFF80  }
0xb: {  	[tilespmem:s6], [sflag:$0x1] =	stream.indirect.gather [hbm4b:s5+s6], $0x80, s2, s6, $0xb8;
	[tilespmem:$0x4080] =	vst v63  }
0xc: {  	p0 =	sne.s32 s31, $0x1;
	_ =	swait.ge [sflag:s7], $0x4000  }
.Ltmp0:
0xd: {  	s9 =	sshll.u32 s9, $0x4;
	[sflag:s7] =	ssyncset.done $0x0;
	(pc) =	sbr.rel @!p0 .LBB2_2-.Ltmp0, $4  }
0xe: {  	s8 =	sadd.s32 s8, s9;
	[sflag:s7] =	ssyncadd.s32 $0xFFFFC000  }
0xf: {  	[hbm4b:s8+s2] =	stream.linear.scatter [tilespmem:s6], [sflag:$0x2], $0x4000, $0x38;
	[tilespmem:$0x4080] =	vst v63  }
0x10: {  	_ =	swait.ge [sflag:s3], $0x4000  }
0x11: {  	s9 =	sadd.s32 $0xFFFFFFFF, s31;
	[sflag:s3] =	ssyncset.done $0x0  }
.LBB2_1:
0x12: {  	p0 =	sne.s32 s9, $0x1;
	s9 =	sadd.s32 $0xFFFFFFFF, s9;
	[sflag:s3] =	ssyncadd.s32 $0xFFFFC000  }
0x13: {  	[tilespmem:s2], [sflag:$0x2] =	stream.linear.gather [hbm4b:s4+s2], $0x80, $0x38;
	[tilespmem:$0x4080] =	vst v63  }
0x14: {  	_ =	swait.ge [sflag:s3], $0x80  }
0x15: {  	[sflag:s3] =	ssyncset.done $0x0  }
0x16: {  	[sflag:s3] =	ssyncadd.s32 $0xFFFFFF80  }
0x17: {  	[tilespmem:s6], [sflag:$0x1] =	stream.indirect.gather [hbm4b:s5+s6], $0x80, s2, s6, $0xb8;
	[tilespmem:$0x4080] =	vst v63  }
0x18: {  	_ =	swait.ge [sflag:s7], $0x4000  }
.Ltmp1:
0x19: {  	[sflag:s7] =	ssyncset.done $0x0;
	(pc) =	sbr.rel @p0 .LBB2_1-.Ltmp1, $4  }
0x1a: {  	[sflag:s7] =	ssyncadd.s32 $0xFFFFC000  }
0x1b: {  	[hbm4b:s8+s2] =	stream.linear.scatter [tilespmem:s6], [sflag:$0x2], $0x4000, $0x38;
	[tilespmem:$0x4080] =	vst v63  }
0x1c: {  	_ =	swait.ge [sflag:s3], $0x4000  }
0x1d: {  	[sflag:s3] =	ssyncset.done $0x0  }
.LBB2_2:
0x1e: {  	[sflag:s3] =	ssyncadd.s32 $0xFFFFC000  }
0x1f: {  	_ =	sfence.sel $0x180000  }
0x20: {  	[bflag:$0x0] =	sbarrier.arrive $0xFFFF  }
0x21: {  	p0 =	sne.s32 s0, $0x0;
	_ =	strace $0x90000047  }
0x22: {  	s0 =	sadd.s32 @!p0 $0x100000, s1;
	[bflag:$0x2] =	sbarrier.arrive $0xFFFF  }
0x23: {  	[sflag:s0] =	ssyncadd.tile.s32 @!p0 $0x1;
	_ =	shalt  }
.Lfunc_end2:
_tile_overlayer_lowered:
.L_overlay_start_2:
0x24: {  	(tag) =	ssettag $0x2  }
0x25: {  	s0 =	rddreg [dreg:$0x0];
	s2 =	stileid.u32  }
0x26: {  	s1 =	rddreg [dreg:$0x1];
	p0 =	sne.s32 s2, $0x0  }
0x27: {  	s3 =	rddreg [dreg:$0x2];
	[bflag:$0x3] =	sbarrier.arrive $0xFFFF;
	s2 =	simm.s32 @!p0 $0x1C02  }
0x28: {  	[timem:s3], [sflag:s2] =	dma.local @!p0 [hbm:s0], s1  }
0x29: {  	s0 =	simm.s32 @!p0 $0x2  }
0x2a: {  	_ =	swait.ge @!p0 [sflag:s0], s1  }
0x2b: {  	s1 =	ssub.s32 @!p0 $0x0, s1;
	[sflag:s0] =	ssyncset.done @!p0 $0x0  }
0x2c: {  	[sflag:s0] =	ssyncadd.s32 @!p0 s1  }
0x2d: {  	[bflag:$0x3] =	sbarrier.arrive $0xFFFF  }
0x2e: {  	_ =	shalt  }

</sc_bundles>
